<compile_context>
chip_gen: v7x
topology: tpu7x:2x2x1
jax: 0.10.2.dev20260603
libtpu: 0.0.44.dev20260713+nightly
codegen_flags: <defaults>
</compile_context>

<pallas_src>
import functools

import jax
import jax.numpy as jnp
from jax import lax
from jax.experimental import pallas as pl
from jax.experimental.pallas import tpu as pltpu
from jax.experimental.pallas import tpu_sc as plsc

B = 32
C = 2
N = 8192
D = 485
MIN_D = 44
MAX_LFO = 441
PAD = 496
L = 16
NG = N // L


def _flanger_body(x_hbm, mod_hbm, fb_hbm, w_hbm, dp_hbm, mx_hbm, out_hbm,
                  modv, x0, x1, h0, h1, o0, o1, pvec, sem_a, sem_b, sem_o):
    b = lax.axis_index("s") * 2 + lax.axis_index("c")

    cps_a = [
        pltpu.async_copy(mod_hbm.at[b], modv.at[pl.ds(0, N)], sem_a),
        pltpu.async_copy(fb_hbm, pvec.at[pl.ds(0, B)], sem_a),
        pltpu.async_copy(w_hbm, pvec.at[pl.ds(B, B)], sem_a),
        pltpu.async_copy(dp_hbm, pvec.at[pl.ds(2 * B, B)], sem_a),
        pltpu.async_copy(mx_hbm, pvec.at[pl.ds(3 * B, B)], sem_a),
    ]
    cps_b = [
        pltpu.async_copy(x_hbm.at[b, 0], x0, sem_b),
        pltpu.async_copy(x_hbm.at[b, 1], x1, sem_b),
    ]

    zero = jnp.zeros((L,), jnp.float32)
    for j in range(PAD // L):
        h0[pl.ds(j * L, L)] = zero
        h1[pl.ds(j * L, L)] = zero

    for cp in cps_a:
        cp.wait()
    modv[pl.ds(N, L)] = zero
    modv[pl.ds(N + L, L)] = zero

    bvec = jnp.full((L,), b, jnp.int32)
    fb = plsc.load_gather(pvec, [bvec])
    wd = plsc.load_gather(pvec, [bvec + B])
    dp = plsc.load_gather(pvec, [bvec + 2 * B])
    mx = plsc.load_gather(pvec, [bvec + 3 * B])
    cw = jnp.float32(MAX_LFO) * wd
    mdp = mx * dp

    lanes = lax.iota(jnp.int32, L)
    fD = jnp.float32(D)
    fMIN = jnp.float32(MIN_D)

    def idxmath(off, wq0):
        tp = (off + PAD - D) + lanes
        wqv = wq0 + lanes
        wqv = jnp.where(wqv >= D, wqv - D, wqv)
        wf = wqv.astype(jnp.float32)
        mv = modv[pl.ds(pl.multiple_of(off, L), L)]
        delay = cw * mv + fMIN
        a = wf - delay + fD
        pa = a.astype(jnp.int32)
        fr = a - pa.astype(jnp.float32)
        om = jnp.float32(1.0) - fr
        wq1 = wq0 + L
        wq1 = jnp.where(wq1 >= D, wq1 - D, wq1)
        return tp - wqv + pa, (fb * fr, fb * om, mdp * fr, mdp * om), wq1

    def gather4(gi):
        gn = gi + 1
        return (plsc.load_gather(h0, [gi]), plsc.load_gather(h0, [gn]),
                plsc.load_gather(h1, [gi]), plsc.load_gather(h1, [gn]))

    def emit_group(off, coef, taps):
        bfr, bom, mfr, mom = coef
        pv0, nv0, pv1, nv1 = taps
        for (xr, hr, orr, pv, nv) in ((x0, h0, o0, pv0, nv0),
                                      (x1, h1, o1, pv1, nv1)):
            xv = xr[pl.ds(pl.multiple_of(off, L), L)]
            hr[pl.ds(pl.multiple_of(off + PAD, L), L)] = \
                (xv + bom * pv) + bfr * nv
            orr[pl.ds(pl.multiple_of(off, L), L)] = \
                (xv + mom * pv) + mfr * nv

    g0, f0, wq1 = idxmath(jnp.int32(0), jnp.int32(0))
    g1, f1, wq2 = idxmath(jnp.int32(L), wq1)
    taps0 = gather4(g0)

    for cp in cps_b:
        cp.wait()

    def step(jj, carry):
        (fa0, fa1, fa2, fa3, ta0, ta1, ta2, ta3,
         gb, fb0, fb1, fb2, fb3, wqc) = carry
        off_a = jj * (2 * L)
        taps_b = gather4(gb)
        emit_group(off_a, (fa0, fa1, fa2, fa3), (ta0, ta1, ta2, ta3))
        gc, cfc, wqd = idxmath(off_a + 2 * L, wqc)
        taps_c = gather4(gc)
        emit_group(off_a + L, (fb0, fb1, fb2, fb3), taps_b)
        gd, cfd, wqe = idxmath(off_a + 3 * L, wqd)
        return (*cfc, *taps_c, gd, *cfd, wqe)

    half = lax.fori_loop(0, NG // 4, step, (*f0, *taps0, g1, *f1, wq2))
    ocp = [pltpu.async_copy(o0.at[pl.ds(0, N // 2)],
                            out_hbm.at[b, 0, pl.ds(0, N // 2)], sem_o),
           pltpu.async_copy(o1.at[pl.ds(0, N // 2)],
                            out_hbm.at[b, 1, pl.ds(0, N // 2)], sem_o)]
    lax.fori_loop(NG // 4, NG // 2, step, half)

    pltpu.sync_copy(o0.at[pl.ds(N // 2, N // 2)],
                    out_hbm.at[b, 0, pl.ds(N // 2, N // 2)])
    pltpu.sync_copy(o1.at[pl.ds(N // 2, N // 2)],
                    out_hbm.at[b, 1, pl.ds(N // 2, N // 2)])
    for cp in ocp:
        cp.wait()


@jax.jit
def kernel(x, mod_sig, feedback, width, depth, mix):
    mesh = plsc.VectorSubcoreMesh(core_axis_name="c", subcore_axis_name="s")
    f = functools.partial(
        pl.kernel,
        mesh=mesh,
        compiler_params=pltpu.CompilerParams(needs_layout_passes=False),
        out_type=jax.ShapeDtypeStruct((B, C, N), jnp.float32),
        scratch_types=[
            pltpu.VMEM((N + 2 * L,), jnp.float32),
            pltpu.VMEM((N,), jnp.float32),
            pltpu.VMEM((N,), jnp.float32),
            pltpu.VMEM((PAD + N,), jnp.float32),
            pltpu.VMEM((PAD + N,), jnp.float32),
            pltpu.VMEM((N,), jnp.float32),
            pltpu.VMEM((N,), jnp.float32),
            pltpu.VMEM((4 * B,), jnp.float32),
            pltpu.SemaphoreType.DMA,
            pltpu.SemaphoreType.DMA,
            pltpu.SemaphoreType.DMA,
        ],
    )(_flanger_body)
    return f(x, mod_sig, feedback, width, depth, mix)

# --- scband reference (transcript-rebuilt; emitter-appended) ---
"""Pipeline reference for scband-mono-flanger-chorus-module-13993003450899 (READ-ONLY COPY).

The authoritative reference and input builder live on the scoring server;
editing this copy changes nothing except your own understanding.
"""

import jax, jax.numpy as jnp
import numpy as np

B = 32
C = 2
N = 8192
SR = 44100.0
MIN_D = int(1.0 / 1000.0 * SR + 0.5)      # 44 min delay samples
MAX_LFO = int(10.0 / 1000.0 * SR + 0.5)   # 441 max lfo delay samples
D = MIN_D + MAX_LFO                        # 485 max delay samples


def setup_inputs(seed: int = 0) -> dict:
    key = jax.random.key(seed)
    ks = jax.random.split(key, 6)
    x = jax.random.normal(ks[0], (B, C, N), dtype=jnp.float32)
    mod_sig = jax.random.uniform(ks[1], (B, N), dtype=jnp.float32)
    feedback = jax.random.uniform(ks[2], (B,), dtype=jnp.float32)
    width = jax.random.uniform(ks[3], (B,), dtype=jnp.float32)
    depth = jax.random.uniform(ks[4], (B,), dtype=jnp.float32)
    mix = jax.random.uniform(ks[5], (B,), dtype=jnp.float32)
    return {"x": x, "mod_sig": mod_sig, "feedback": feedback, "width": width, "depth": depth, "mix": mix}


def reference(x, mod_sig, feedback, width, depth, mix):
    b, c, n = x.shape
    mod = jnp.broadcast_to(mod_sig[:, None, :], (b, c, n))
    fb = feedback[:, None]          # (B, 1)
    w = width[:, None, None]        # (B, 1, 1)
    dp = depth[:, None]             # (B, 1)
    mx = mix[:, None, None]         # (B, 1, 1)

    write_idx_all = (jnp.arange(n) % D).astype(jnp.int32)                    # (N,)
    delay_samples_all = MAX_LFO * w * mod + MIN_D                             # (B, C, N)
    read_idx_all = (write_idx_all[None, None, :].astype(jnp.float32) - delay_samples_all + D) % D
    frac_all = read_idx_all - jnp.floor(read_idx_all)
    prev_idx_all = jnp.floor(read_idx_all).astype(jnp.int32)
    next_idx_all = (prev_idx_all + 1) % D

    def step(delay_buf, inp):
        audio_val, p_idx, n_idx, fr, w_idx = inp
        prev_val = jnp.take_along_axis(delay_buf, p_idx[..., None], axis=-1)[..., 0]
        next_val = jnp.take_along_axis(delay_buf, n_idx[..., None], axis=-1)[..., 0]
        interp_val = fr * next_val + (1.0 - fr) * prev_val
        delay_buf = delay_buf.at[:, :, w_idx].set(audio_val + fb * interp_val)
        out_val = audio_val + dp * interp_val
        return delay_buf, out_val

    xs = (jnp.moveaxis(x, -1, 0),
          jnp.moveaxis(prev_idx_all, -1, 0),
          jnp.moveaxis(next_idx_all, -1, 0),
          jnp.moveaxis(frac_all, -1, 0),
          write_idx_all)
    buf0 = jnp.zeros((b, c, D), dtype=x.dtype)
    _, outs = jax.lax.scan(step, buf0, xs)
    out_buf = jnp.moveaxis(outs, 0, -1)  # (B, C, N)
    return (1.0 - mx) * x + mx * out_buf

if __name__ == "__main__":
    import jax
    _d = setup_inputs()
    print(jax.jit(kernel)(*tuple(_d.values())))

</pallas_src>

<mosaic_0001>
#map = affine_map<(d0, d1) -> (0, 0, 0)>
#map1 = affine_map<(d0, d1) -> (0, 0)>
#map2 = affine_map<(d0, d1) -> (0)>
module attributes {stable_mosaic.version = 14 : i64} {
  func.func @_flanger_body(%arg0: i32, %arg1: i32, %arg2: memref<32x2x8192xf32, #tpu.memory_space<hbm>>, %arg3: memref<32x8192xf32, #tpu.memory_space<hbm>>, %arg4: memref<32xf32, #tpu.memory_space<hbm>>, %arg5: memref<32xf32, #tpu.memory_space<hbm>>, %arg6: memref<32xf32, #tpu.memory_space<hbm>>, %arg7: memref<32xf32, #tpu.memory_space<hbm>>, %arg8: memref<32x2x8192xf32, #tpu.memory_space<hbm>>, %arg9: memref<8224xf32, #tpu.memory_space<vmem>>, %arg10: memref<8192xf32, #tpu.memory_space<vmem>>, %arg11: memref<8192xf32, #tpu.memory_space<vmem>>, %arg12: memref<8688xf32, #tpu.memory_space<vmem>>, %arg13: memref<8688xf32, #tpu.memory_space<vmem>>, %arg14: memref<8192xf32, #tpu.memory_space<vmem>>, %arg15: memref<8192xf32, #tpu.memory_space<vmem>>, %arg16: memref<128xf32, #tpu.memory_space<vmem>>, %arg17: memref<!tpu.dma_semaphore, #tpu.memory_space<semaphore_mem>>, %arg18: memref<!tpu.dma_semaphore, #tpu.memory_space<semaphore_mem>>, %arg19: memref<!tpu.dma_semaphore, #tpu.memory_space<semaphore_mem>>) attributes {dimension_semantics = [#tpu.dimension_semantics<core_parallel>, #tpu.dimension_semantics<subcore_parallel>], iteration_bounds = array<i64: 2, 16>, scalar_prefetch = 0 : i64, scratch_operands = 11 : i64, tpu.core_type = #tpu.core_type<sc_vector_subcore>, window_params = [{transform_indices = #map}, {transform_indices = #map1}, {transform_indices = #map2}, {transform_indices = #map2}, {transform_indices = #map2}, {transform_indices = #map2}, {transform_indices = #map}]} {
    %mul3A = arith.constant 2 : i32
    %mul3A_0 = arith.muli %arg1, %mul3A : i32
    %add3A = arith.addi %mul3A_0, %arg0 : i32
    %dma_start3A = arith.constant 0 : i32
    %dma_start3A_1 = tpu.memref_slice %arg9[%dma_start3A] : memref<8224xf32, #tpu.memory_space<vmem>> -> memref<8192xf32, #tpu.memory_space<vmem>>
    %dma_start3A_2 = arith.constant 0 : i32
    %dma_start3A_3 = tpu.memref_slice %arg3[%add3A, %dma_start3A_2] : memref<32x8192xf32, #tpu.memory_space<hbm>> -> memref<1x8192xf32, #tpu.memory_space<hbm>>
    %dma_start3A_4 = tpu.memref_squeeze %dma_start3A_3 : memref<1x8192xf32, #tpu.memory_space<hbm>> -> memref<8192xf32, #tpu.memory_space<hbm>>
    %dma_start3A_5 = arith.constant 0 : i32
    %dma_start3A_6 = tpu.memref_slice %arg9[%dma_start3A_5] : memref<8224xf32, #tpu.memory_space<vmem>> -> memref<8192xf32, #tpu.memory_space<vmem>>
    %dma_start3A_7 = arith.constant 0 : i32
    %dma_start3A_8 = tpu.memref_slice %arg3[%add3A, %dma_start3A_7] : memref<32x8192xf32, #tpu.memory_space<hbm>> -> memref<1x8192xf32, #tpu.memory_space<hbm>>
    %dma_start3A_9 = tpu.memref_squeeze %dma_start3A_8 : memref<1x8192xf32, #tpu.memory_space<hbm>> -> memref<8192xf32, #tpu.memory_space<hbm>>
    tpu.enqueue_dma source(%dma_start3A_9 : memref<8192xf32, #tpu.memory_space<hbm>>) target(%dma_start3A_6 : memref<8192xf32, #tpu.memory_space<vmem>>) target_semaphore(%arg17 : memref<!tpu.dma_semaphore, #tpu.memory_space<semaphore_mem>>)
    %dma_start3A_10 = arith.constant 0 : i32
    %dma_start3A_11 = tpu.memref_slice %arg16[%dma_start3A_10] : memref<128xf32, #tpu.memory_space<vmem>> -> memref<32xf32, #tpu.memory_space<vmem>>
    %dma_start3A_12 = arith.constant 0 : i32
    %dma_start3A_13 = tpu.memref_slice %arg16[%dma_start3A_12] : memref<128xf32, #tpu.memory_space<vmem>> -> memref<32xf32, #tpu.memory_space<vmem>>
    tpu.enqueue_dma source(%arg4 : memref<32xf32, #tpu.memory_space<hbm>>) target(%dma_start3A_13 : memref<32xf32, #tpu.memory_space<vmem>>) target_semaphore(%arg17 : memref<!tpu.dma_semaphore, #tpu.memory_space<semaphore_mem>>)
    %dma_start3A_14 = arith.constant 32 : i32
    %dma_start3A_15 = tpu.memref_slice %arg16[%dma_start3A_14] : memref<128xf32, #tpu.memory_space<vmem>> -> memref<32xf32, #tpu.memory_space<vmem>>
    %dma_start3A_16 = arith.constant 32 : i32
    %dma_start3A_17 = tpu.memref_slice %arg16[%dma_start3A_16] : memref<128xf32, #tpu.memory_space<vmem>> -> memref<32xf32, #tpu.memory_space<vmem>>
    tpu.enqueue_dma source(%arg5 : memref<32xf32, #tpu.memory_space<hbm>>) target(%dma_start3A_17 : memref<32xf32, #tpu.memory_space<vmem>>) target_semaphore(%arg17 : memref<!tpu.dma_semaphore, #tpu.memory_space<semaphore_mem>>)
    %dma_start3A_18 = arith.constant 64 : i32
    %dma_start3A_19 = tpu.memref_slice %arg16[%dma_start3A_18] : memref<128xf32, #tpu.memory_space<vmem>> -> memref<32xf32, #tpu.memory_space<vmem>>
    %dma_start3A_20 = arith.constant 64 : i32
    %dma_start3A_21 = tpu.memref_slice %arg16[%dma_start3A_20] : memref<128xf32, #tpu.memory_space<vmem>> -> memref<32xf32, #tpu.memory_space<vmem>>
    tpu.enqueue_dma source(%arg6 : memref<32xf32, #tpu.memory_space<hbm>>) target(%dma_start3A_21 : memref<32xf32, #tpu.memory_space<vmem>>) target_semaphore(%arg17 : memref<!tpu.dma_semaphore, #tpu.memory_space<semaphore_mem>>)
    %dma_start3A_22 = arith.constant 96 : i32
    %dma_start3A_23 = tpu.memref_slice %arg16[%dma_start3A_22] : memref<128xf32, #tpu.memory_space<vmem>> -> memref<32xf32, #tpu.memory_space<vmem>>
    %dma_start3A_24 = arith.constant 96 : i32
    %dma_start3A_25 = tpu.memref_slice %arg16[%dma_start3A_24] : memref<128xf32, #tpu.memory_space<vmem>> -> memref<32xf32, #tpu.memory_space<vmem>>
    tpu.enqueue_dma source(%arg7 : memref<32xf32, #tpu.memory_space<hbm>>) target(%dma_start3A_25 : memref<32xf32, #tpu.memory_space<vmem>>) target_semaphore(%arg17 : memref<!tpu.dma_semaphore, #tpu.memory_space<semaphore_mem>>)
    %dma_start3A_26 = arith.constant 0 : i32
    %dma_start3A_27 = arith.constant 0 : i32
    %dma_start3A_28 = tpu.memref_slice %arg2[%add3A, %dma_start3A_26, %dma_start3A_27] : memref<32x2x8192xf32, #tpu.memory_space<hbm>> -> memref<1x1x8192xf32, #tpu.memory_space<hbm>>
    %dma_start3A_29 = tpu.memref_squeeze %dma_start3A_28 : memref<1x1x8192xf32, #tpu.memory_space<hbm>> -> memref<8192xf32, #tpu.memory_space<hbm>>
    %dma_start3A_30 = arith.constant 0 : i32
    %dma_start3A_31 = tpu.memref_slice %arg2[%add3A, %dma_start3A_26, %dma_start3A_30] : memref<32x2x8192xf32, #tpu.memory_space<hbm>> -> memref<1x1x8192xf32, #tpu.memory_space<hbm>>
    %dma_start3A_32 = tpu.memref_squeeze %dma_start3A_31 : memref<1x1x8192xf32, #tpu.memory_space<hbm>> -> memref<8192xf32, #tpu.memory_space<hbm>>
    tpu.enqueue_dma source(%dma_start3A_32 : memref<8192xf32, #tpu.memory_space<hbm>>) target(%arg10 : memref<8192xf32, #tpu.memory_space<vmem>>) target_semaphore(%arg18 : memref<!tpu.dma_semaphore, #tpu.memory_space<semaphore_mem>>)
    %dma_start3A_33 = arith.constant 1 : i32
    %dma_start3A_34 = arith.constant 0 : i32
    %dma_start3A_35 = tpu.memref_slice %arg2[%add3A, %dma_start3A_33, %dma_start3A_34] : memref<32x2x8192xf32, #tpu.memory_space<hbm>> -> memref<1x1x8192xf32, #tpu.memory_space<hbm>>
    %dma_start3A_36 = tpu.memref_squeeze %dma_start3A_35 : memref<1x1x8192xf32, #tpu.memory_space<hbm>> -> memref<8192xf32, #tpu.memory_space<hbm>>
    %dma_start3A_37 = arith.constant 0 : i32
    %dma_start3A_38 = tpu.memref_slice %arg2[%add3A, %dma_start3A_33, %dma_start3A_37] : memref<32x2x8192xf32, #tpu.memory_space<hbm>> -> memref<1x1x8192xf32, #tpu.memory_space<hbm>>
    %dma_start3A_39 = tpu.memref_squeeze %dma_start3A_38 : memref<1x1x8192xf32, #tpu.memory_space<hbm>> -> memref<8192xf32, #tpu.memory_space<hbm>>
    tpu.enqueue_dma source(%dma_start3A_39 : memref<8192xf32, #tpu.memory_space<hbm>>) target(%arg11 : memref<8192xf32, #tpu.memory_space<vmem>>) target_semaphore(%arg18 : memref<!tpu.dma_semaphore, #tpu.memory_space<semaphore_mem>>)
    %broadcast_in_dim3A = arith.constant 0.000000e+00 : f32
    %broadcast_in_dim3A_40 = vector.broadcast %broadcast_in_dim3A : f32 to vector<16xf32>
    %swap3A = arith.constant 0 : index
    %swap3A_41 = tpu.vector_load %arg12[%swap3A] {strides = array<i32>} : memref<8688xf32, #tpu.memory_space<vmem>>, vector<16xf32>,
    tpu.vector_store %arg12[%swap3A], %broadcast_in_dim3A_40 {strides = array<i32>} : memref<8688xf32, #tpu.memory_space<vmem>>, vector<16xf32>,
    %swap3A_42 = arith.constant 0 : index
    %swap3A_43 = tpu.vector_load %arg13[%swap3A_42] {strides = array<i32>} : memref<8688xf32, #tpu.memory_space<vmem>>, vector<16xf32>,
    tpu.vector_store %arg13[%swap3A_42], %broadcast_in_dim3A_40 {strides = array<i32>} : memref<8688xf32, #tpu.memory_space<vmem>>, vector<16xf32>,
    %swap3A_44 = arith.constant 16 : index
    %swap3A_45 = tpu.vector_load %arg12[%swap3A_44] {strides = array<i32>} : memref<8688xf32, #tpu.memory_space<vmem>>, vector<16xf32>,
    tpu.vector_store %arg12[%swap3A_44], %broadcast_in_dim3A_40 {strides = array<i32>} : memref<8688xf32, #tpu.memory_space<vmem>>, vector<16xf32>,
    %swap3A_46 = arith.constant 16 : index
    %swap3A_47 = tpu.vector_load %arg13[%swap3A_46] {strides = array<i32>} : memref<8688xf32, #tpu.memory_space<vmem>>, vector<16xf32>,
    tpu.vector_store %arg13[%swap3A_46], %broadcast_in_dim3A_40 {strides = array<i32>} : memref<8688xf32, #tpu.memory_space<vmem>>, vector<16xf32>,
    %swap3A_48 = arith.constant 32 : index
    %swap3A_49 = tpu.vector_load %arg12[%swap3A_48] {strides = array<i32>} : memref<8688xf32, #tpu.memory_space<vmem>>, vector<16xf32>,
    tpu.vector_store %arg12[%swap3A_48], %broadcast_in_dim3A_40 {strides = array<i32>} : memref<8688xf32, #tpu.memory_space<vmem>>, vector<16xf32>,
    %swap3A_50 = arith.constant 32 : index
    %swap3A_51 = tpu.vector_load %arg13[%swap3A_50] {strides = array<i32>} : memref<8688xf32, #tpu.memory_space<vmem>>, vector<16xf32>,
    tpu.vector_store %arg13[%swap3A_50], %broadcast_in_dim3A_40 {strides = array<i32>} : memref<8688xf32, #tpu.memory_space<vmem>>, vector<16xf32>,
    %swap3A_52 = arith.constant 48 : index
    %swap3A_53 = tpu.vector_load %arg12[%swap3A_52] {strides = array<i32>} : memref<8688xf32, #tpu.memory_space<vmem>>, vector<16xf32>,
    tpu.vector_store %arg12[%swap3A_52], %broadcast_in_dim3A_40 {strides = array<i32>} : memref<8688xf32, #tpu.memory_space<vmem>>, vector<16xf32>,
    %swap3A_54 = arith.constant 48 : index
    %swap3A_55 = tpu.vector_load %arg13[%swap3A_54] {strides = array<i32>} : memref<8688xf32, #tpu.memory_space<vmem>>, vector<16xf32>,
    tpu.vector_store %arg13[%swap3A_54], %broadcast_in_dim3A_40 {strides = array<i32>} : memref<8688xf32, #tpu.memory_space<vmem>>, vector<16xf32>,
    %swap3A_56 = arith.constant 64 : index
    %swap3A_57 = tpu.vector_load %arg12[%swap3A_56] {strides = array<i32>} : memref<8688xf32, #tpu.memory_space<vmem>>, vector<16xf32>,
    tpu.vector_store %arg12[%swap3A_56], %broadcast_in_dim3A_40 {strides = array<i32>} : memref<8688xf32, #tpu.memory_space<vmem>>, vector<16xf32>,
    %swap3A_58 = arith.constant 64 : index
    %swap3A_59 = tpu.vector_load %arg13[%swap3A_58] {strides = array<i32>} : memref<8688xf32, #tpu.memory_space<vmem>>, vector<16xf32>,
    tpu.vector_store %arg13[%swap3A_58], %broadcast_in_dim3A_40 {strides = array<i32>} : memref<8688xf32, #tpu.memory_space<vmem>>, vector<16xf32>,
    %swap3A_60 = arith.constant 80 : index
    %swap3A_61 = tpu.vector_load %arg12[%swap3A_60] {strides = array<i32>} : memref<8688xf32, #tpu.memory_space<vmem>>, vector<16xf32>,
    tpu.vector_store %arg12[%swap3A_60], %broadcast_in_dim3A_40 {strides = array<i32>} : memref<8688xf32, #tpu.memory_space<vmem>>, vector<16xf32>,
    %swap3A_62 = arith.constant 80 : index
    %swap3A_63 = tpu.vector_load %arg13[%swap3A_62] {strides = array<i32>} : memref<8688xf32, #tpu.memory_space<vmem>>, vector<16xf32>,
    tpu.vector_store %arg13[%swap3A_62], %broadcast_in_dim3A_40 {strides = array<i32>} : memref<8688xf32, #tpu.memory_space<vmem>>, vector<16xf32>,
    %swap3A_64 = arith.constant 96 : index
    %swap3A_65 = tpu.vector_load %arg12[%swap3A_64] {strides = array<i32>} : memref<8688xf32, #tpu.memory_space<vmem>>, vector<16xf32>,
    tpu.vector_store %arg12[%swap3A_64], %broadcast_in_dim3A_40 {strides = array<i32>} : memref<8688xf32, #tpu.memory_space<vmem>>, vector<16xf32>,
    %swap3A_66 = arith.constant 96 : index
    %swap3A_67 = tpu.vector_load %arg13[%swap3A_66] {strides = array<i32>} : memref<8688xf32, #tpu.memory_space<vmem>>, vector<16xf32>,
    tpu.vector_store %arg13[%swap3A_66], %broadcast_in_dim3A_40 {strides = array<i32>} : memref<8688xf32, #tpu.memory_space<vmem>>, vector<16xf32>,
    %swap3A_68 = arith.constant 112 : index
    %swap3A_69 = tpu.vector_load %arg12[%swap3A_68] {strides = array<i32>} : memref<8688xf32, #tpu.memory_space<vmem>>, vector<16xf32>,
    tpu.vector_store %arg12[%swap3A_68], %broadcast_in_dim3A_40 {strides = array<i32>} : memref<8688xf32, #tpu.memory_space<vmem>>, vector<16xf32>,
    %swap3A_70 = arith.constant 112 : index
    %swap3A_71 = tpu.vector_load %arg13[%swap3A_70] {strides = array<i32>} : memref<8688xf32, #tpu.memory_space<vmem>>, vector<16xf32>,
    tpu.vector_store %arg13[%swap3A_70], %broadcast_in_dim3A_40 {strides = array<i32>} : memref<8688xf32, #tpu.memory_space<vmem>>, vector<16xf32>,
    %swap3A_72 = arith.constant 128 : index
    %swap3A_73 = tpu.vector_load %arg12[%swap3A_72] {strides = array<i32>} : memref<8688xf32, #tpu.memory_space<vmem>>, vector<16xf32>,
    tpu.vector_store %arg12[%swap3A_72], %broadcast_in_dim3A_40 {strides = array<i32>} : memref<8688xf32, #tpu.memory_space<vmem>>, vector<16xf32>,
    %swap3A_74 = arith.constant 128 : index
    %swap3A_75 = tpu.vector_load %arg13[%swap3A_74] {strides = array<i32>} : memref<8688xf32, #tpu.memory_space<vmem>>, vector<16xf32>,
    tpu.vector_store %arg13[%swap3A_74], %broadcast_in_dim3A_40 {strides = array<i32>} : memref<8688xf32, #tpu.memory_space<vmem>>, vector<16xf32>,
    %swap3A_76 = arith.constant 144 : index
    %swap3A_77 = tpu.vector_load %arg12[%swap3A_76] {strides = array<i32>} : memref<8688xf32, #tpu.memory_space<vmem>>, vector<16xf32>,
    tpu.vector_store %arg12[%swap3A_76], %broadcast_in_dim3A_40 {strides = array<i32>} : memref<8688xf32, #tpu.memory_space<vmem>>, vector<16xf32>,
    %swap3A_78 = arith.constant 144 : index
    %swap3A_79 = tpu.vector_load %arg13[%swap3A_78] {strides = array<i32>} : memref<8688xf32, #tpu.memory_space<vmem>>, vector<16xf32>,
    tpu.vector_store %arg13[%swap3A_78], %broadcast_in_dim3A_40 {strides = array<i32>} : memref<8688xf32, #tpu.memory_space<vmem>>, vector<16xf32>,
    %swap3A_80 = arith.constant 160 : index
    %swap3A_81 = tpu.vector_load %arg12[%swap3A_80] {strides = array<i32>} : memref<8688xf32, #tpu.memory_space<vmem>>, vector<16xf32>,
    tpu.vector_store %arg12[%swap3A_80], %broadcast_in_dim3A_40 {strides = array<i32>} : memref<8688xf32, #tpu.memory_space<vmem>>, vector<16xf32>,
    %swap3A_82 = arith.constant 160 : index
    %swap3A_83 = tpu.vector_load %arg13[%swap3A_82] {strides = array<i32>} : memref<8688xf32, #tpu.memory_space<vmem>>, vector<16xf32>,
    tpu.vector_store %arg13[%swap3A_82], %broadcast_in_dim3A_40 {strides = array<i32>} : memref<8688xf32, #tpu.memory_space<vmem>>, vector<16xf32>,
    %swap3A_84 = arith.constant 176 : index
    %swap3A_85 = tpu.vector_load %arg12[%swap3A_84] {strides = array<i32>} : memref<8688xf32, #tpu.memory_space<vmem>>, vector<16xf32>,
    tpu.vector_store %arg12[%swap3A_84], %broadcast_in_dim3A_40 {strides = array<i32>} : memref<8688xf32, #tpu.memory_space<vmem>>, vector<16xf32>,
    %swap3A_86 = arith.constant 176 : index
    %swap3A_87 = tpu.vector_load %arg13[%swap3A_86] {strides = array<i32>} : memref<8688xf32, #tpu.memory_space<vmem>>, vector<16xf32>,
    tpu.vector_store %arg13[%swap3A_86], %broadcast_in_dim3A_40 {strides = array<i32>} : memref<8688xf32, #tpu.memory_space<vmem>>, vector<16xf32>,
    %swap3A_88 = arith.constant 192 : index
    %swap3A_89 = tpu.vector_load %arg12[%swap3A_88] {strides = array<i32>} : memref<8688xf32, #tpu.memory_space<vmem>>, vector<16xf32>,
    tpu.vector_store %arg12[%swap3A_88], %broadcast_in_dim3A_40 {strides = array<i32>} : memref<8688xf32, #tpu.memory_space<vmem>>, vector<16xf32>,
    %swap3A_90 = arith.constant 192 : index
    %swap3A_91 = tpu.vector_load %arg13[%swap3A_90] {strides = array<i32>} : memref<8688xf32, #tpu.memory_space<vmem>>, vector<16xf32>,
    tpu.vector_store %arg13[%swap3A_90], %broadcast_in_dim3A_40 {strides = array<i32>} : memref<8688xf32, #tpu.memory_space<vmem>>, vector<16xf32>,
    %swap3A_92 = arith.constant 208 : index
    %swap3A_93 = tpu.vector_load %arg12[%swap3A_92] {strides = array<i32>} : memref<8688xf32, #tpu.memory_space<vmem>>, vector<16xf32>,
    tpu.vector_store %arg12[%swap3A_92], %broadcast_in_dim3A_40 {strides = array<i32>} : memref<8688xf32, #tpu.memory_space<vmem>>, vector<16xf32>,
    %swap3A_94 = arith.constant 208 : index
    %swap3A_95 = tpu.vector_load %arg13[%swap3A_94] {strides = array<i32>} : memref<8688xf32, #tpu.memory_space<vmem>>, vector<16xf32>,
    tpu.vector_store %arg13[%swap3A_94], %broadcast_in_dim3A_40 {strides = array<i32>} : memref<8688xf32, #tpu.memory_space<vmem>>, vector<16xf32>,
    %swap3A_96 = arith.constant 224 : index
    %swap3A_97 = tpu.vector_load %arg12[%swap3A_96] {strides = array<i32>} : memref<8688xf32, #tpu.memory_space<vmem>>, vector<16xf32>,
    tpu.vector_store %arg12[%swap3A_96], %broadcast_in_dim3A_40 {strides = array<i32>} : memref<8688xf32, #tpu.memory_space<vmem>>, vector<16xf32>,
    %swap3A_98 = arith.constant 224 : index
    %swap3A_99 = tpu.vector_load %arg13[%swap3A_98] {strides = array<i32>} : memref<8688xf32, #tpu.memory_space<vmem>>, vector<16xf32>,
    tpu.vector_store %arg13[%swap3A_98], %broadcast_in_dim3A_40 {strides = array<i32>} : memref<8688xf32, #tpu.memory_space<vmem>>, vector<16xf32>,
    %swap3A_100 = arith.constant 240 : index
    %swap3A_101 = tpu.vector_load %arg12[%swap3A_100] {strides = array<i32>} : memref<8688xf32, #tpu.memory_space<vmem>>, vector<16xf32>,
    tpu.vector_store %arg12[%swap3A_100], %broadcast_in_dim3A_40 {strides = array<i32>} : memref<8688xf32, #tpu.memory_space<vmem>>, vector<16xf32>,
    %swap3A_102 = arith.constant 240 : index
    %swap3A_103 = tpu.vector_load %arg13[%swap3A_102] {strides = array<i32>} : memref<8688xf32, #tpu.memory_space<vmem>>, vector<16xf32>,
    tpu.vector_store %arg13[%swap3A_102], %broadcast_in_dim3A_40 {strides = array<i32>} : memref<8688xf32, #tpu.memory_space<vmem>>, vector<16xf32>,
    %swap3A_104 = arith.constant 256 : index
    %swap3A_105 = tpu.vector_load %arg12[%swap3A_104] {strides = array<i32>} : memref<8688xf32, #tpu.memory_space<vmem>>, vector<16xf32>,
    tpu.vector_store %arg12[%swap3A_104], %broadcast_in_dim3A_40 {strides = array<i32>} : memref<8688xf32, #tpu.memory_space<vmem>>, vector<16xf32>,
    %swap3A_106 = arith.constant 256 : index
    %swap3A_107 = tpu.vector_load %arg13[%swap3A_106] {strides = array<i32>} : memref<8688xf32, #tpu.memory_space<vmem>>, vector<16xf32>,
    tpu.vector_store %arg13[%swap3A_106], %broadcast_in_dim3A_40 {strides = array<i32>} : memref<8688xf32, #tpu.memory_space<vmem>>, vector<16xf32>,
    %swap3A_108 = arith.constant 272 : index
    %swap3A_109 = tpu.vector_load %arg12[%swap3A_108] {strides = array<i32>} : memref<8688xf32, #tpu.memory_space<vmem>>, vector<16xf32>,
    tpu.vector_store %arg12[%swap3A_108], %broadcast_in_dim3A_40 {strides = array<i32>} : memref<8688xf32, #tpu.memory_space<vmem>>, vector<16xf32>,
    %swap3A_110 = arith.constant 272 : index
    %swap3A_111 = tpu.vector_load %arg13[%swap3A_110] {strides = array<i32>} : memref<8688xf32, #tpu.memory_space<vmem>>, vector<16xf32>,
    tpu.vector_store %arg13[%swap3A_110], %broadcast_in_dim3A_40 {strides = array<i32>} : memref<8688xf32, #tpu.memory_space<vmem>>, vector<16xf32>,
    %swap3A_112 = arith.constant 288 : index
    %swap3A_113 = tpu.vector_load %arg12[%swap3A_112] {strides = array<i32>} : memref<8688xf32, #tpu.memory_space<vmem>>, vector<16xf32>,
    tpu.vector_store %arg12[%swap3A_112], %broadcast_in_dim3A_40 {strides = array<i32>} : memref<8688xf32, #tpu.memory_space<vmem>>, vector<16xf32>,
    %swap3A_114 = arith.constant 288 : index
    %swap3A_115 = tpu.vector_load %arg13[%swap3A_114] {strides = array<i32>} : memref<8688xf32, #tpu.memory_space<vmem>>, vector<16xf32>,
    tpu.vector_store %arg13[%swap3A_114], %broadcast_in_dim3A_40 {strides = array<i32>} : memref<8688xf32, #tpu.memory_space<vmem>>, vector<16xf32>,
    %swap3A_116 = arith.constant 304 : index
    %swap3A_117 = tpu.vector_load %arg12[%swap3A_116] {strides = array<i32>} : memref<8688xf32, #tpu.memory_space<vmem>>, vector<16xf32>,
    tpu.vector_store %arg12[%swap3A_116], %broadcast_in_dim3A_40 {strides = array<i32>} : memref<8688xf32, #tpu.memory_space<vmem>>, vector<16xf32>,
    %swap3A_118 = arith.constant 304 : index
    %swap3A_119 = tpu.vector_load %arg13[%swap3A_118] {strides = array<i32>} : memref<8688xf32, #tpu.memory_space<vmem>>, vector<16xf32>,
    tpu.vector_store %arg13[%swap3A_118], %broadcast_in_dim3A_40 {strides = array<i32>} : memref<8688xf32, #tpu.memory_space<vmem>>, vector<16xf32>,
    %swap3A_120 = arith.constant 320 : index
    %swap3A_121 = tpu.vector_load %arg12[%swap3A_120] {strides = array<i32>} : memref<8688xf32, #tpu.memory_space<vmem>>, vector<16xf32>,
    tpu.vector_store %arg12[%swap3A_120], %broadcast_in_dim3A_40 {strides = array<i32>} : memref<8688xf32, #tpu.memory_space<vmem>>, vector<16xf32>,
    %swap3A_122 = arith.constant 320 : index
    %swap3A_123 = tpu.vector_load %arg13[%swap3A_122] {strides = array<i32>} : memref<8688xf32, #tpu.memory_space<vmem>>, vector<16xf32>,
    tpu.vector_store %arg13[%swap3A_122], %broadcast_in_dim3A_40 {strides = array<i32>} : memref<8688xf32, #tpu.memory_space<vmem>>, vector<16xf32>,
    %swap3A_124 = arith.constant 336 : index
    %swap3A_125 = tpu.vector_load %arg12[%swap3A_124] {strides = array<i32>} : memref<8688xf32, #tpu.memory_space<vmem>>, vector<16xf32>,
    tpu.vector_store %arg12[%swap3A_124], %broadcast_in_dim3A_40 {strides = array<i32>} : memref<8688xf32, #tpu.memory_space<vmem>>, vector<16xf32>,
    %swap3A_126 = arith.constant 336 : index
    %swap3A_127 = tpu.vector_load %arg13[%swap3A_126] {strides = array<i32>} : memref<8688xf32, #tpu.memory_space<vmem>>, vector<16xf32>,
    tpu.vector_store %arg13[%swap3A_126], %broadcast_in_dim3A_40 {strides = array<i32>} : memref<8688xf32, #tpu.memory_space<vmem>>, vector<16xf32>,
    %swap3A_128 = arith.constant 352 : index
    %swap3A_129 = tpu.vector_load %arg12[%swap3A_128] {strides = array<i32>} : memref<8688xf32, #tpu.memory_space<vmem>>, vector<16xf32>,
    tpu.vector_store %arg12[%swap3A_128], %broadcast_in_dim3A_40 {strides = array<i32>} : memref<8688xf32, #tpu.memory_space<vmem>>, vector<16xf32>,
    %swap3A_130 = arith.constant 352 : index
    %swap3A_131 = tpu.vector_load %arg13[%swap3A_130] {strides = array<i32>} : memref<8688xf32, #tpu.memory_space<vmem>>, vector<16xf32>,
    tpu.vector_store %arg13[%swap3A_130], %broadcast_in_dim3A_40 {strides = array<i32>} : memref<8688xf32, #tpu.memory_space<vmem>>, vector<16xf32>,
    %swap3A_132 = arith.constant 368 : index
    %swap3A_133 = tpu.vector_load %arg12[%swap3A_132] {strides = array<i32>} : memref<8688xf32, #tpu.memory_space<vmem>>, vector<16xf32>,
    tpu.vector_store %arg12[%swap3A_132], %broadcast_in_dim3A_40 {strides = array<i32>} : memref<8688xf32, #tpu.memory_space<vmem>>, vector<16xf32>,
    %swap3A_134 = arith.constant 368 : index
    %swap3A_135 = tpu.vector_load %arg13[%swap3A_134] {strides = array<i32>} : memref<8688xf32, #tpu.memory_space<vmem>>, vector<16xf32>,
    tpu.vector_store %arg13[%swap3A_134], %broadcast_in_dim3A_40 {strides = array<i32>} : memref<8688xf32, #tpu.memory_space<vmem>>, vector<16xf32>,
    %swap3A_136 = arith.constant 384 : index
    %swap3A_137 = tpu.vector_load %arg12[%swap3A_136] {strides = array<i32>} : memref<8688xf32, #tpu.memory_space<vmem>>, vector<16xf32>,
    tpu.vector_store %arg12[%swap3A_136], %broadcast_in_dim3A_40 {strides = array<i32>} : memref<8688xf32, #tpu.memory_space<vmem>>, vector<16xf32>,
    %swap3A_138 = arith.constant 384 : index
    %swap3A_139 = tpu.vector_load %arg13[%swap3A_138] {strides = array<i32>} : memref<8688xf32, #tpu.memory_space<vmem>>, vector<16xf32>,
    tpu.vector_store %arg13[%swap3A_138], %broadcast_in_dim3A_40 {strides = array<i32>} : memref<8688xf32, #tpu.memory_space<vmem>>, vector<16xf32>,
    %swap3A_140 = arith.constant 400 : index
    %swap3A_141 = tpu.vector_load %arg12[%swap3A_140] {strides = array<i32>} : memref<8688xf32, #tpu.memory_space<vmem>>, vector<16xf32>,
    tpu.vector_store %arg12[%swap3A_140], %broadcast_in_dim3A_40 {strides = array<i32>} : memref<8688xf32, #tpu.memory_space<vmem>>, vector<16xf32>,
    %swap3A_142 = arith.constant 400 : index
    %swap3A_143 = tpu.vector_load %arg13[%swap3A_142] {strides = array<i32>} : memref<8688xf32, #tpu.memory_space<vmem>>, vector<16xf32>,
    tpu.vector_store %arg13[%swap3A_142], %broadcast_in_dim3A_40 {strides = array<i32>} : memref<8688xf32, #tpu.memory_space<vmem>>, vector<16xf32>,
    %swap3A_144 = arith.constant 416 : index
    %swap3A_145 = tpu.vector_load %arg12[%swap3A_144] {strides = array<i32>} : memref<8688xf32, #tpu.memory_space<vmem>>, vector<16xf32>,
    tpu.vector_store %arg12[%swap3A_144], %broadcast_in_dim3A_40 {strides = array<i32>} : memref<8688xf32, #tpu.memory_space<vmem>>, vector<16xf32>,
    %swap3A_146 = arith.constant 416 : index
    %swap3A_147 = tpu.vector_load %arg13[%swap3A_146] {strides = array<i32>} : memref<8688xf32, #tpu.memory_space<vmem>>, vector<16xf32>,
    tpu.vector_store %arg13[%swap3A_146], %broadcast_in_dim3A_40 {strides = array<i32>} : memref<8688xf32, #tpu.memory_space<vmem>>, vector<16xf32>,
    %swap3A_148 = arith.constant 432 : index
    %swap3A_149 = tpu.vector_load %arg12[%swap3A_148] {strides = array<i32>} : memref<8688xf32, #tpu.memory_space<vmem>>, vector<16xf32>,
    tpu.vector_store %arg12[%swap3A_148], %broadcast_in_dim3A_40 {strides = array<i32>} : memref<8688xf32, #tpu.memory_space<vmem>>, vector<16xf32>,
    %swap3A_150 = arith.constant 432 : index
    %swap3A_151 = tpu.vector_load %arg13[%swap3A_150] {strides = array<i32>} : memref<8688xf32, #tpu.memory_space<vmem>>, vector<16xf32>,
    tpu.vector_store %arg13[%swap3A_150], %broadcast_in_dim3A_40 {strides = array<i32>} : memref<8688xf32, #tpu.memory_space<vmem>>, vector<16xf32>,
    %swap3A_152 = arith.constant 448 : index
    %swap3A_153 = tpu.vector_load %arg12[%swap3A_152] {strides = array<i32>} : memref<8688xf32, #tpu.memory_space<vmem>>, vector<16xf32>,
    tpu.vector_store %arg12[%swap3A_152], %broadcast_in_dim3A_40 {strides = array<i32>} : memref<8688xf32, #tpu.memory_space<vmem>>, vector<16xf32>,
    %swap3A_154 = arith.constant 448 : index
    %swap3A_155 = tpu.vector_load %arg13[%swap3A_154] {strides = array<i32>} : memref<8688xf32, #tpu.memory_space<vmem>>, vector<16xf32>,
    tpu.vector_store %arg13[%swap3A_154], %broadcast_in_dim3A_40 {strides = array<i32>} : memref<8688xf32, #tpu.memory_space<vmem>>, vector<16xf32>,
    %swap3A_156 = arith.constant 464 : index
    %swap3A_157 = tpu.vector_load %arg12[%swap3A_156] {strides = array<i32>} : memref<8688xf32, #tpu.memory_space<vmem>>, vector<16xf32>,
    tpu.vector_store %arg12[%swap3A_156], %broadcast_in_dim3A_40 {strides = array<i32>} : memref<8688xf32, #tpu.memory_space<vmem>>, vector<16xf32>,
    %swap3A_158 = arith.constant 464 : index
    %swap3A_159 = tpu.vector_load %arg13[%swap3A_158] {strides = array<i32>} : memref<8688xf32, #tpu.memory_space<vmem>>, vector<16xf32>,
    tpu.vector_store %arg13[%swap3A_158], %broadcast_in_dim3A_40 {strides = array<i32>} : memref<8688xf32, #tpu.memory_space<vmem>>, vector<16xf32>,
    %swap3A_160 = arith.constant 480 : index
    %swap3A_161 = tpu.vector_load %arg12[%swap3A_160] {strides = array<i32>} : memref<8688xf32, #tpu.memory_space<vmem>>, vector<16xf32>,
    tpu.vector_store %arg12[%swap3A_160], %broadcast_in_dim3A_40 {strides = array<i32>} : memref<8688xf32, #tpu.memory_space<vmem>>, vector<16xf32>,
    %swap3A_162 = arith.constant 480 : index
    %swap3A_163 = tpu.vector_load %arg13[%swap3A_162] {strides = array<i32>} : memref<8688xf32, #tpu.memory_space<vmem>>, vector<16xf32>,
    tpu.vector_store %arg13[%swap3A_162], %broadcast_in_dim3A_40 {strides = array<i32>} : memref<8688xf32, #tpu.memory_space<vmem>>, vector<16xf32>,
    %dma_wait3A = arith.constant 0 : i32
    %dma_wait3A_164 = tpu.memref_slice %arg9[%dma_wait3A] : memref<8224xf32, #tpu.memory_space<vmem>> -> memref<8192xf32, #tpu.memory_space<vmem>>
    %dma_wait3A_165 = arith.constant 0 : i32
    %dma_wait3A_166 = tpu.memref_slice %arg3[%add3A, %dma_wait3A_165] : memref<32x8192xf32, #tpu.memory_space<hbm>> -> memref<1x8192xf32, #tpu.memory_space<hbm>>
    %dma_wait3A_167 = tpu.memref_squeeze %dma_wait3A_166 : memref<1x8192xf32, #tpu.memory_space<hbm>> -> memref<8192xf32, #tpu.memory_space<hbm>>
    %dma_wait3A_168 = arith.constant 0 : i32
    %dma_wait3A_169 = tpu.memref_slice %arg9[%dma_wait3A_168] : memref<8224xf32, #tpu.memory_space<vmem>> -> memref<8192xf32, #tpu.memory_space<vmem>>
    %dma_wait3A_170 = arith.constant 0 : i32
    %dma_wait3A_171 = tpu.memref_slice %arg3[%add3A, %dma_wait3A_170] : memref<32x8192xf32, #tpu.memory_space<hbm>> -> memref<1x8192xf32, #tpu.memory_space<hbm>>
    %dma_wait3A_172 = tpu.memref_squeeze %dma_wait3A_171 : memref<1x8192xf32, #tpu.memory_space<hbm>> -> memref<8192xf32, #tpu.memory_space<hbm>>
    tpu.wait_dma2 semaphore(%arg17 : memref<!tpu.dma_semaphore, #tpu.memory_space<semaphore_mem>>) src(%dma_wait3A_172 : memref<8192xf32, #tpu.memory_space<hbm>>) dst(%dma_wait3A_169 : memref<8192xf32, #tpu.memory_space<vmem>>)
    %dma_wait3A_173 = arith.constant 0 : i32
    %dma_wait3A_174 = tpu.memref_slice %arg16[%dma_wait3A_173] : memref<128xf32, #tpu.memory_space<vmem>> -> memref<32xf32, #tpu.memory_space<vmem>>
    %dma_wait3A_175 = arith.constant 0 : i32
    %dma_wait3A_176 = tpu.memref_slice %arg16[%dma_wait3A_175] : memref<128xf32, #tpu.memory_space<vmem>> -> memref<32xf32, #tpu.memory_space<vmem>>
    tpu.wait_dma2 semaphore(%arg17 : memref<!tpu.dma_semaphore, #tpu.memory_space<semaphore_mem>>) src(%arg4 : memref<32xf32, #tpu.memory_space<hbm>>) dst(%dma_wait3A_176 : memref<32xf32, #tpu.memory_space<vmem>>)
    %dma_wait3A_177 = arith.constant 32 : i32
    %dma_wait3A_178 = tpu.memref_slice %arg16[%dma_wait3A_177] : memref<128xf32, #tpu.memory_space<vmem>> -> memref<32xf32, #tpu.memory_space<vmem>>
    %dma_wait3A_179 = arith.constant 32 : i32
    %dma_wait3A_180 = tpu.memref_slice %arg16[%dma_wait3A_179] : memref<128xf32, #tpu.memory_space<vmem>> -> memref<32xf32, #tpu.memory_space<vmem>>
    tpu.wait_dma2 semaphore(%arg17 : memref<!tpu.dma_semaphore, #tpu.memory_space<semaphore_mem>>) src(%arg5 : memref<32xf32, #tpu.memory_space<hbm>>) dst(%dma_wait3A_180 : memref<32xf32, #tpu.memory_space<vmem>>)
    %dma_wait3A_181 = arith.constant 64 : i32
    %dma_wait3A_182 = tpu.memref_slice %arg16[%dma_wait3A_181] : memref<128xf32, #tpu.memory_space<vmem>> -> memref<32xf32, #tpu.memory_space<vmem>>
    %dma_wait3A_183 = arith.constant 64 : i32
    %dma_wait3A_184 = tpu.memref_slice %arg16[%dma_wait3A_183] : memref<128xf32, #tpu.memory_space<vmem>> -> memref<32xf32, #tpu.memory_space<vmem>>
    tpu.wait_dma2 semaphore(%arg17 : memref<!tpu.dma_semaphore, #tpu.memory_space<semaphore_mem>>) src(%arg6 : memref<32xf32, #tpu.memory_space<hbm>>) dst(%dma_wait3A_184 : memref<32xf32, #tpu.memory_space<vmem>>)
    %dma_wait3A_185 = arith.constant 96 : i32
    %dma_wait3A_186 = tpu.memref_slice %arg16[%dma_wait3A_185] : memref<128xf32, #tpu.memory_space<vmem>> -> memref<32xf32, #tpu.memory_space<vmem>>
    %dma_wait3A_187 = arith.constant 96 : i32
    %dma_wait3A_188 = tpu.memref_slice %arg16[%dma_wait3A_187] : memref<128xf32, #tpu.memory_space<vmem>> -> memref<32xf32, #tpu.memory_space<vmem>>
    tpu.wait_dma2 semaphore(%arg17 : memref<!tpu.dma_semaphore, #tpu.memory_space<semaphore_mem>>) src(%arg7 : memref<32xf32, #tpu.memory_space<hbm>>) dst(%dma_wait3A_188 : memref<32xf32, #tpu.memory_space<vmem>>)
    %swap3A_189 = arith.constant 8192 : index
    %swap3A_190 = tpu.vector_load %arg9[%swap3A_189] {strides = array<i32>} : memref<8224xf32, #tpu.memory_space<vmem>>, vector<16xf32>,
    tpu.vector_store %arg9[%swap3A_189], %broadcast_in_dim3A_40 {strides = array<i32>} : memref<8224xf32, #tpu.memory_space<vmem>>, vector<16xf32>,
    %swap3A_191 = arith.constant 8208 : index
    %swap3A_192 = tpu.vector_load %arg9[%swap3A_191] {strides = array<i32>} : memref<8224xf32, #tpu.memory_space<vmem>>, vector<16xf32>,
    tpu.vector_store %arg9[%swap3A_191], %broadcast_in_dim3A_40 {strides = array<i32>} : memref<8224xf32, #tpu.memory_space<vmem>>, vector<16xf32>,
    %broadcast_in_dim3A_193 = vector.broadcast %add3A : i32 to vector<16xi32>
    %gather3A = tpu.vector_load_idx %arg16[%broadcast_in_dim3A_193] : memref<128xf32, #tpu.memory_space<vmem>>[vector<16xi32>], vector<16xf32>,
    %add3A_194 = arith.constant 32 : i32
    %add3A_195 = vector.broadcast %add3A_194 : i32 to vector<16xi32>
    %add3A_196 = arith.addi %broadcast_in_dim3A_193, %add3A_195 : vector<16xi32>
    %gather3A_197 = tpu.vector_load_idx %arg16[%add3A_196] : memref<128xf32, #tpu.memory_space<vmem>>[vector<16xi32>], vector<16xf32>,
    %add3A_198 = arith.constant 64 : i32
    %add3A_199 = vector.broadcast %add3A_198 : i32 to vector<16xi32>
    %add3A_200 = arith.addi %broadcast_in_dim3A_193, %add3A_199 : vector<16xi32>
    %gather3A_201 = tpu.vector_load_idx %arg16[%add3A_200] : memref<128xf32, #tpu.memory_space<vmem>>[vector<16xi32>], vector<16xf32>,
    %add3A_202 = arith.constant 96 : i32
    %add3A_203 = vector.broadcast %add3A_202 : i32 to vector<16xi32>
    %add3A_204 = arith.addi %broadcast_in_dim3A_193, %add3A_203 : vector<16xi32>
    %gather3A_205 = tpu.vector_load_idx %arg16[%add3A_204] : memref<128xf32, #tpu.memory_space<vmem>>[vector<16xi32>], vector<16xf32>,
    %mul3A_206 = arith.constant 4.410000e+02 : f32
    %mul3A_207 = vector.broadcast %mul3A_206 : f32 to vector<16xf32>
    %mul3A_208 = arith.mulf %mul3A_207, %gather3A_197 : vector<16xf32>
    %mul3A_209 = arith.mulf %gather3A_205, %gather3A_201 : vector<16xf32>
    %iota3A = tpu.iota {dimensions = array<i32: 0>} : vector<16xi32>
    %add3A_210 = arith.constant 0 : i32
    %add3A_211 = arith.constant 496 : i32
    %add3A_212 = arith.addi %add3A_210, %add3A_211 : i32
    %sub3A = arith.constant 485 : i32
    %sub3A_213 = arith.subi %add3A_212, %sub3A : i32
    %add3A_214 = vector.broadcast %sub3A_213 : i32 to vector<16xi32>
    %add3A_215 = arith.addi %add3A_214, %iota3A : vector<16xi32>
    %add3A_216 = arith.constant 0 : i32
    %add3A_217 = vector.broadcast %add3A_216 : i32 to vector<16xi32>
    %add3A_218 = arith.addi %add3A_217, %iota3A : vector<16xi32>
    %ge3A = arith.constant 485 : i32
    %ge3A_219 = vector.broadcast %ge3A : i32 to vector<16xi32>
    %ge3A_220 = arith.cmpi sge, %add3A_218, %ge3A_219 : vector<16xi32>
    %sub3A_221 = arith.constant 485 : i32
    %sub3A_222 = vector.broadcast %sub3A_221 : i32 to vector<16xi32>
    %sub3A_223 = arith.subi %add3A_218, %sub3A_222 : vector<16xi32>
    %select_n3A = arith.select %ge3A_220, %sub3A_223, %add3A_218 : vector<16xi1>, vector<16xi32>
    %convert_element_type3A = arith.sitofp %select_n3A : vector<16xi32> to vector<16xf32>
    %multiple_of3A = arith.constant 0 : i32
    %multiple_of3A_224 = tpu.assume_multiple %multiple_of3A, 16 : i32
    %get3A = arith.index_cast %multiple_of3A_224 : i32 to index
    %get3A_225 = tpu.vector_load %arg9[%get3A] {strides = array<i32>} : memref<8224xf32, #tpu.memory_space<vmem>>, vector<16xf32>,
    %mul3A_226 = arith.mulf %mul3A_208, %get3A_225 : vector<16xf32>
    %add3A_227 = arith.constant 4.400000e+01 : f32
    %add3A_228 = vector.broadcast %add3A_227 : f32 to vector<16xf32>
    %add3A_229 = arith.addf %mul3A_226, %add3A_228 : vector<16xf32>
    %sub3A_230 = arith.subf %convert_element_type3A, %add3A_229 : vector<16xf32>
    %add3A_231 = arith.constant 4.850000e+02 : f32
    %add3A_232 = vector.broadcast %add3A_231 : f32 to vector<16xf32>
    %add3A_233 = arith.addf %sub3A_230, %add3A_232 : vector<16xf32>
    %convert_element_type3A_234 = arith.fptosi %add3A_233 : vector<16xf32> to vector<16xi32>
    %convert_element_type3A_235 = arith.sitofp %convert_element_type3A_234 : vector<16xi32> to vector<16xf32>
    %sub3A_236 = arith.subf %add3A_233, %convert_element_type3A_235 : vector<16xf32>
    %sub3A_237 = arith.constant 1.000000e+00 : f32
    %sub3A_238 = vector.broadcast %sub3A_237 : f32 to vector<16xf32>
    %sub3A_239 = arith.subf %sub3A_238, %sub3A_236 : vector<16xf32>
    %add3A_240 = arith.constant 0 : i32
    %add3A_241 = arith.constant 16 : i32
    %add3A_242 = arith.addi %add3A_240, %add3A_241 : i32
    %ge3A_243 = arith.constant 485 : i32
    %ge3A_244 = arith.cmpi sge, %add3A_242, %ge3A_243 : i32
    %sub3A_245 = arith.constant 485 : i32
    %sub3A_246 = arith.subi %add3A_242, %sub3A_245 : i32
    %select_n3A_247 = arith.select %ge3A_244, %sub3A_246, %add3A_242 : i32
    %sub3A_248 = arith.subi %add3A_215, %select_n3A : vector<16xi32>
    %add3A_249 = arith.addi %sub3A_248, %convert_element_type3A_234 : vector<16xi32>
    %mul3A_250 = arith.mulf %gather3A, %sub3A_236 : vector<16xf32>
    %mul3A_251 = arith.mulf %gather3A, %sub3A_239 : vector<16xf32>
    %mul3A_252 = arith.mulf %mul3A_209, %sub3A_236 : vector<16xf32>
    %mul3A_253 = arith.mulf %mul3A_209, %sub3A_239 : vector<16xf32>
    %add3A_254 = arith.constant 16 : i32
    %add3A_255 = arith.constant 496 : i32
    %add3A_256 = arith.addi %add3A_254, %add3A_255 : i32
    %sub3A_257 = arith.constant 485 : i32
    %sub3A_258 = arith.subi %add3A_256, %sub3A_257 : i32
    %add3A_259 = vector.broadcast %sub3A_258 : i32 to vector<16xi32>
    %add3A_260 = arith.addi %add3A_259, %iota3A : vector<16xi32>
    %add3A_261 = vector.broadcast %select_n3A_247 : i32 to vector<16xi32>
    %add3A_262 = arith.addi %add3A_261, %iota3A : vector<16xi32>
    %ge3A_263 = arith.constant 485 : i32
    %ge3A_264 = vector.broadcast %ge3A_263 : i32 to vector<16xi32>
    %ge3A_265 = arith.cmpi sge, %add3A_262, %ge3A_264 : vector<16xi32>
    %sub3A_266 = arith.constant 485 : i32
    %sub3A_267 = vector.broadcast %sub3A_266 : i32 to vector<16xi32>
    %sub3A_268 = arith.subi %add3A_262, %sub3A_267 : vector<16xi32>
    %select_n3A_269 = arith.select %ge3A_265, %sub3A_268, %add3A_262 : vector<16xi1>, vector<16xi32>
    %convert_element_type3A_270 = arith.sitofp %select_n3A_269 : vector<16xi32> to vector<16xf32>
    %multiple_of3A_271 = arith.constant 16 : i32
    %multiple_of3A_272 = tpu.assume_multiple %multiple_of3A_271, 16 : i32
    %get3A_273 = arith.index_cast %multiple_of3A_272 : i32 to index
    %get3A_274 = tpu.vector_load %arg9[%get3A_273] {strides = array<i32>} : memref<8224xf32, #tpu.memory_space<vmem>>, vector<16xf32>,
    %mul3A_275 = arith.mulf %mul3A_208, %get3A_274 : vector<16xf32>
    %add3A_276 = arith.constant 4.400000e+01 : f32
    %add3A_277 = vector.broadcast %add3A_276 : f32 to vector<16xf32>
    %add3A_278 = arith.addf %mul3A_275, %add3A_277 : vector<16xf32>
    %sub3A_279 = arith.subf %convert_element_type3A_270, %add3A_278 : vector<16xf32>
    %add3A_280 = arith.constant 4.850000e+02 : f32
    %add3A_281 = vector.broadcast %add3A_280 : f32 to vector<16xf32>
    %add3A_282 = arith.addf %sub3A_279, %add3A_281 : vector<16xf32>
    %convert_element_type3A_283 = arith.fptosi %add3A_282 : vector<16xf32> to vector<16xi32>
    %convert_element_type3A_284 = arith.sitofp %convert_element_type3A_283 : vector<16xi32> to vector<16xf32>
    %sub3A_285 = arith.subf %add3A_282, %convert_element_type3A_284 : vector<16xf32>
    %sub3A_286 = arith.constant 1.000000e+00 : f32
    %sub3A_287 = vector.broadcast %sub3A_286 : f32 to vector<16xf32>
    %sub3A_288 = arith.subf %sub3A_287, %sub3A_285 : vector<16xf32>
    %add3A_289 = arith.constant 16 : i32
    %add3A_290 = arith.addi %select_n3A_247, %add3A_289 : i32
    %ge3A_291 = arith.constant 485 : i32
    %ge3A_292 = arith.cmpi sge, %add3A_290, %ge3A_291 : i32
    %sub3A_293 = arith.constant 485 : i32
    %sub3A_294 = arith.subi %add3A_290, %sub3A_293 : i32
    %select_n3A_295 = arith.select %ge3A_292, %sub3A_294, %add3A_290 : i32
    %sub3A_296 = arith.subi %add3A_260, %select_n3A_269 : vector<16xi32>
    %add3A_297 = arith.addi %sub3A_296, %convert_element_type3A_283 : vector<16xi32>
    %mul3A_298 = arith.mulf %gather3A, %sub3A_285 : vector<16xf32>
    %mul3A_299 = arith.mulf %gather3A, %sub3A_288 : vector<16xf32>
    %mul3A_300 = arith.mulf %mul3A_209, %sub3A_285 : vector<16xf32>
    %mul3A_301 = arith.mulf %mul3A_209, %sub3A_288 : vector<16xf32>
    %add3A_302 = arith.constant 1 : i32
    %add3A_303 = vector.broadcast %add3A_302 : i32 to vector<16xi32>
    %add3A_304 = arith.addi %add3A_249, %add3A_303 : vector<16xi32>
    %gather3A_305 = tpu.vector_load_idx %arg12[%add3A_249] : memref<8688xf32, #tpu.memory_space<vmem>>[vector<16xi32>], vector<16xf32>,
    %gather3A_306 = tpu.vector_load_idx %arg12[%add3A_304] : memref<8688xf32, #tpu.memory_space<vmem>>[vector<16xi32>], vector<16xf32>,
    %gather3A_307 = tpu.vector_load_idx %arg13[%add3A_249] : memref<8688xf32, #tpu.memory_space<vmem>>[vector<16xi32>], vector<16xf32>,
    %gather3A_308 = tpu.vector_load_idx %arg13[%add3A_304] : memref<8688xf32, #tpu.memory_space<vmem>>[vector<16xi32>], vector<16xf32>,
    %dma_wait3A_309 = arith.constant 0 : i32
    %dma_wait3A_310 = arith.constant 0 : i32
    %dma_wait3A_311 = tpu.memref_slice %arg2[%add3A, %dma_wait3A_309, %dma_wait3A_310] : memref<32x2x8192xf32, #tpu.memory_space<hbm>> -> memref<1x1x8192xf32, #tpu.memory_space<hbm>>
    %dma_wait3A_312 = tpu.memref_squeeze %dma_wait3A_311 : memref<1x1x8192xf32, #tpu.memory_space<hbm>> -> memref<8192xf32, #tpu.memory_space<hbm>>
    %dma_wait3A_313 = arith.constant 0 : i32
    %dma_wait3A_314 = tpu.memref_slice %arg2[%add3A, %dma_wait3A_309, %dma_wait3A_313] : memref<32x2x8192xf32, #tpu.memory_space<hbm>> -> memref<1x1x8192xf32, #tpu.memory_space<hbm>>
    %dma_wait3A_315 = tpu.memref_squeeze %dma_wait3A_314 : memref<1x1x8192xf32, #tpu.memory_space<hbm>> -> memref<8192xf32, #tpu.memory_space<hbm>>
    tpu.wait_dma2 semaphore(%arg18 : memref<!tpu.dma_semaphore, #tpu.memory_space<semaphore_mem>>) src(%dma_wait3A_315 : memref<8192xf32, #tpu.memory_space<hbm>>) dst(%arg10 : memref<8192xf32, #tpu.memory_space<vmem>>)
    %dma_wait3A_316 = arith.constant 1 : i32
    %dma_wait3A_317 = arith.constant 0 : i32
    %dma_wait3A_318 = tpu.memref_slice %arg2[%add3A, %dma_wait3A_316, %dma_wait3A_317] : memref<32x2x8192xf32, #tpu.memory_space<hbm>> -> memref<1x1x8192xf32, #tpu.memory_space<hbm>>
    %dma_wait3A_319 = tpu.memref_squeeze %dma_wait3A_318 : memref<1x1x8192xf32, #tpu.memory_space<hbm>> -> memref<8192xf32, #tpu.memory_space<hbm>>
    %dma_wait3A_320 = arith.constant 0 : i32
    %dma_wait3A_321 = tpu.memref_slice %arg2[%add3A, %dma_wait3A_316, %dma_wait3A_320] : memref<32x2x8192xf32, #tpu.memory_space<hbm>> -> memref<1x1x8192xf32, #tpu.memory_space<hbm>>
    %dma_wait3A_322 = tpu.memref_squeeze %dma_wait3A_321 : memref<1x1x8192xf32, #tpu.memory_space<hbm>> -> memref<8192xf32, #tpu.memory_space<hbm>>
    tpu.wait_dma2 semaphore(%arg18 : memref<!tpu.dma_semaphore, #tpu.memory_space<semaphore_mem>>) src(%dma_wait3A_322 : memref<8192xf32, #tpu.memory_space<hbm>>) dst(%arg11 : memref<8192xf32, #tpu.memory_space<vmem>>)
    %scan3A = arith.constant 4.400000e+01 : f32
    %scan3A_323 = arith.constant 4.850000e+02 : f32
    %scan3A_324 = arith.constant 0 : i32
    %scan3A_325 = arith.constant 128 : i32
    %scan3A_326 = arith.addi %scan3A_324, %scan3A_325 : i32
    %scan3A_327 = arith.constant 1 : i32
    %scan3A_328:14 = scf.for %scan3A_383 = %scan3A_324 to %scan3A_326 step %scan3A_327 iter_args(%scan3A_384 = %mul3A_250, %scan3A_385 = %mul3A_251, %scan3A_386 = %mul3A_252, %scan3A_387 = %mul3A_253, %scan3A_388 = %gather3A_305, %scan3A_389 = %gather3A_306, %scan3A_390 = %gather3A_307, %scan3A_391 = %gather3A_308, %scan3A_392 = %add3A_297, %scan3A_393 = %mul3A_298, %scan3A_394 = %mul3A_299, %scan3A_395 = %mul3A_300, %scan3A_396 = %mul3A_301, %scan3A_397 = %select_n3A_295) -> (vector<16xf32>, vector<16xf32>, vector<16xf32>, vector<16xf32>, vector<16xf32>, vector<16xf32>, vector<16xf32>, vector<16xf32>, vector<16xi32>, vector<16xf32>, vector<16xf32>, vector<16xf32>, vector<16xf32>, i32)  : i32 {
      %mul3A_398 = arith.constant 32 : i32
      %mul3A_399 = arith.muli %scan3A_383, %mul3A_398 : i32
      %add3A_400 = arith.constant 1 : i32
      %add3A_401 = vector.broadcast %add3A_400 : i32 to vector<16xi32>
      %add3A_402 = arith.addi %scan3A_392, %add3A_401 : vector<16xi32>
      %gather3A_403 = tpu.vector_load_idx %arg12[%scan3A_392] : memref<8688xf32, #tpu.memory_space<vmem>>[vector<16xi32>], vector<16xf32>,
      %gather3A_404 = tpu.vector_load_idx %arg12[%add3A_402] : memref<8688xf32, #tpu.memory_space<vmem>>[vector<16xi32>], vector<16xf32>,
      %gather3A_405 = tpu.vector_load_idx %arg13[%scan3A_392] : memref<8688xf32, #tpu.memory_space<vmem>>[vector<16xi32>], vector<16xf32>,
      %gather3A_406 = tpu.vector_load_idx %arg13[%add3A_402] : memref<8688xf32, #tpu.memory_space<vmem>>[vector<16xi32>], vector<16xf32>,
      %multiple_of3A_407 = tpu.assume_multiple %mul3A_399, 16 : i32
      %get3A_408 = arith.index_cast %multiple_of3A_407 : i32 to index
      %get3A_409 = tpu.vector_load %arg10[%get3A_408] {strides = array<i32>} : memref<8192xf32, #tpu.memory_space<vmem>>, vector<16xf32>,
      %mul3A_410 = arith.mulf %scan3A_385, %scan3A_388 : vector<16xf32>
      %add3A_411 = arith.addf %get3A_409, %mul3A_410 : vector<16xf32>
      %mul3A_412 = arith.mulf %scan3A_384, %scan3A_389 : vector<16xf32>
      %add3A_413 = arith.addf %add3A_411, %mul3A_412 : vector<16xf32>
      %add3A_414 = arith.constant 496 : i32
      %add3A_415 = arith.addi %mul3A_399, %add3A_414 : i32
      %multiple_of3A_416 = tpu.assume_multiple %add3A_415, 16 : i32
      %swap3A_417 = arith.index_cast %multiple_of3A_416 : i32 to index
      %swap3A_418 = tpu.vector_load %arg12[%swap3A_417] {strides = array<i32>} : memref<8688xf32, #tpu.memory_space<vmem>>, vector<16xf32>,
      tpu.vector_store %arg12[%swap3A_417], %add3A_413 {strides = array<i32>} : memref<8688xf32, #tpu.memory_space<vmem>>, vector<16xf32>,
      %mul3A_419 = arith.mulf %scan3A_387, %scan3A_388 : vector<16xf32>
      %add3A_420 = arith.addf %get3A_409, %mul3A_419 : vector<16xf32>
      %mul3A_421 = arith.mulf %scan3A_386, %scan3A_389 : vector<16xf32>
      %add3A_422 = arith.addf %add3A_420, %mul3A_421 : vector<16xf32>
      %multiple_of3A_423 = tpu.assume_multiple %mul3A_399, 16 : i32
      %swap3A_424 = arith.index_cast %multiple_of3A_423 : i32 to index
      %swap3A_425 = tpu.vector_load %arg14[%swap3A_424] {strides = array<i32>} : memref<8192xf32, #tpu.memory_space<vmem>>, vector<16xf32>,
      tpu.vector_store %arg14[%swap3A_424], %add3A_422 {strides = array<i32>} : memref<8192xf32, #tpu.memory_space<vmem>>, vector<16xf32>,
      %multiple_of3A_426 = tpu.assume_multiple %mul3A_399, 16 : i32
      %get3A_427 = arith.index_cast %multiple_of3A_426 : i32 to index
      %get3A_428 = tpu.vector_load %arg11[%get3A_427] {strides = array<i32>} : memref<8192xf32, #tpu.memory_space<vmem>>, vector<16xf32>,
      %mul3A_429 = arith.mulf %scan3A_385, %scan3A_390 : vector<16xf32>
      %add3A_430 = arith.addf %get3A_428, %mul3A_429 : vector<16xf32>
      %mul3A_431 = arith.mulf %scan3A_384, %scan3A_391 : vector<16xf32>
      %add3A_432 = arith.addf %add3A_430, %mul3A_431 : vector<16xf32>
      %add3A_433 = arith.constant 496 : i32
      %add3A_434 = arith.addi %mul3A_399, %add3A_433 : i32
      %multiple_of3A_435 = tpu.assume_multiple %add3A_434, 16 : i32
      %swap3A_436 = arith.index_cast %multiple_of3A_435 : i32 to index
      %swap3A_437 = tpu.vector_load %arg13[%swap3A_436] {strides = array<i32>} : memref<8688xf32, #tpu.memory_space<vmem>>, vector<16xf32>,
      tpu.vector_store %arg13[%swap3A_436], %add3A_432 {strides = array<i32>} : memref<8688xf32, #tpu.memory_space<vmem>>, vector<16xf32>,
      %mul3A_438 = arith.mulf %scan3A_387, %scan3A_390 : vector<16xf32>
      %add3A_439 = arith.addf %get3A_428, %mul3A_438 : vector<16xf32>
      %mul3A_440 = arith.mulf %scan3A_386, %scan3A_391 : vector<16xf32>
      %add3A_441 = arith.addf %add3A_439, %mul3A_440 : vector<16xf32>
      %multiple_of3A_442 = tpu.assume_multiple %mul3A_399, 16 : i32
      %swap3A_443 = arith.index_cast %multiple_of3A_442 : i32 to index
      %swap3A_444 = tpu.vector_load %arg15[%swap3A_443] {strides = array<i32>} : memref<8192xf32, #tpu.memory_space<vmem>>, vector<16xf32>,
      tpu.vector_store %arg15[%swap3A_443], %add3A_441 {strides = array<i32>} : memref<8192xf32, #tpu.memory_space<vmem>>, vector<16xf32>,
      %add3A_445 = arith.constant 32 : i32
      %add3A_446 = arith.addi %mul3A_399, %add3A_445 : i32
      %add3A_447 = arith.constant 496 : i32
      %add3A_448 = arith.addi %add3A_446, %add3A_447 : i32
      %sub3A_449 = arith.constant 485 : i32
      %sub3A_450 = arith.subi %add3A_448, %sub3A_449 : i32
      %add3A_451 = vector.broadcast %sub3A_450 : i32 to vector<16xi32>
      %add3A_452 = arith.addi %add3A_451, %iota3A : vector<16xi32>
      %add3A_453 = vector.broadcast %scan3A_397 : i32 to vector<16xi32>
      %add3A_454 = arith.addi %add3A_453, %iota3A : vector<16xi32>
      %ge3A_455 = arith.constant 485 : i32
      %ge3A_456 = vector.broadcast %ge3A_455 : i32 to vector<16xi32>
      %ge3A_457 = arith.cmpi sge, %add3A_454, %ge3A_456 : vector<16xi32>
      %sub3A_458 = arith.constant 485 : i32
      %sub3A_459 = vector.broadcast %sub3A_458 : i32 to vector<16xi32>
      %sub3A_460 = arith.subi %add3A_454, %sub3A_459 : vector<16xi32>
      %select_n3A_461 = arith.select %ge3A_457, %sub3A_460, %add3A_454 : vector<16xi1>, vector<16xi32>
      %convert_element_type3A_462 = arith.sitofp %select_n3A_461 : vector<16xi32> to vector<16xf32>
      %multiple_of3A_463 = tpu.assume_multiple %add3A_446, 16 : i32
      %get3A_464 = arith.index_cast %multiple_of3A_463 : i32 to index
      %get3A_465 = tpu.vector_load %arg9[%get3A_464] {strides = array<i32>} : memref<8224xf32, #tpu.memory_space<vmem>>, vector<16xf32>,
      %mul3A_466 = arith.mulf %mul3A_208, %get3A_465 : vector<16xf32>
      %add3A_467 = vector.broadcast %scan3A : f32 to vector<16xf32>
      %add3A_468 = arith.addf %mul3A_466, %add3A_467 : vector<16xf32>
      %sub3A_469 = arith.subf %convert_element_type3A_462, %add3A_468 : vector<16xf32>
      %add3A_470 = vector.broadcast %scan3A_323 : f32 to vector<16xf32>
      %add3A_471 = arith.addf %sub3A_469, %add3A_470 : vector<16xf32>
      %convert_element_type3A_472 = arith.fptosi %add3A_471 : vector<16xf32> to vector<16xi32>
      %convert_element_type3A_473 = arith.sitofp %convert_element_type3A_472 : vector<16xi32> to vector<16xf32>
      %sub3A_474 = arith.subf %add3A_471, %convert_element_type3A_473 : vector<16xf32>
      %sub3A_475 = arith.constant 1.000000e+00 : f32
      %sub3A_476 = vector.broadcast %sub3A_475 : f32 to vector<16xf32>
      %sub3A_477 = arith.subf %sub3A_476, %sub3A_474 : vector<16xf32>
      %add3A_478 = arith.constant 16 : i32
      %add3A_479 = arith.addi %scan3A_397, %add3A_478 : i32
      %ge3A_480 = arith.constant 485 : i32
      %ge3A_481 = arith.cmpi sge, %add3A_479, %ge3A_480 : i32
      %sub3A_482 = arith.constant 485 : i32
      %sub3A_483 = arith.subi %add3A_479, %sub3A_482 : i32
      %select_n3A_484 = arith.select %ge3A_481, %sub3A_483, %add3A_479 : i32
      %sub3A_485 = arith.subi %add3A_452, %select_n3A_461 : vector<16xi32>
      %add3A_486 = arith.addi %sub3A_485, %convert_element_type3A_472 : vector<16xi32>
      %mul3A_487 = arith.mulf %gather3A, %sub3A_474 : vector<16xf32>
      %mul3A_488 = arith.mulf %gather3A, %sub3A_477 : vector<16xf32>
      %mul3A_489 = arith.mulf %mul3A_209, %sub3A_474 : vector<16xf32>
      %mul3A_490 = arith.mulf %mul3A_209, %sub3A_477 : vector<16xf32>
      %add3A_491 = arith.constant 1 : i32
      %add3A_492 = vector.broadcast %add3A_491 : i32 to vector<16xi32>
      %add3A_493 = arith.addi %add3A_486, %add3A_492 : vector<16xi32>
      %gather3A_494 = tpu.vector_load_idx %arg12[%add3A_486] : memref<8688xf32, #tpu.memory_space<vmem>>[vector<16xi32>], vector<16xf32>,
      %gather3A_495 = tpu.vector_load_idx %arg12[%add3A_493] : memref<8688xf32, #tpu.memory_space<vmem>>[vector<16xi32>], vector<16xf32>,
      %gather3A_496 = tpu.vector_load_idx %arg13[%add3A_486] : memref<8688xf32, #tpu.memory_space<vmem>>[vector<16xi32>], vector<16xf32>,
      %gather3A_497 = tpu.vector_load_idx %arg13[%add3A_493] : memref<8688xf32, #tpu.memory_space<vmem>>[vector<16xi32>], vector<16xf32>,
      %add3A_498 = arith.constant 16 : i32
      %add3A_499 = arith.addi %mul3A_399, %add3A_498 : i32
      %multiple_of3A_500 = tpu.assume_multiple %add3A_499, 16 : i32
      %get3A_501 = arith.index_cast %multiple_of3A_500 : i32 to index
      %get3A_502 = tpu.vector_load %arg10[%get3A_501] {strides = array<i32>} : memref<8192xf32, #tpu.memory_space<vmem>>, vector<16xf32>,
      %mul3A_503 = arith.mulf %scan3A_394, %gather3A_403 : vector<16xf32>
      %add3A_504 = arith.addf %get3A_502, %mul3A_503 : vector<16xf32>
      %mul3A_505 = arith.mulf %scan3A_393, %gather3A_404 : vector<16xf32>
      %add3A_506 = arith.addf %add3A_504, %mul3A_505 : vector<16xf32>
      %add3A_507 = arith.constant 496 : i32
      %add3A_508 = arith.addi %add3A_499, %add3A_507 : i32
      %multiple_of3A_509 = tpu.assume_multiple %add3A_508, 16 : i32
      %swap3A_510 = arith.index_cast %multiple_of3A_509 : i32 to index
      %swap3A_511 = tpu.vector_load %arg12[%swap3A_510] {strides = array<i32>} : memref<8688xf32, #tpu.memory_space<vmem>>, vector<16xf32>,
      tpu.vector_store %arg12[%swap3A_510], %add3A_506 {strides = array<i32>} : memref<8688xf32, #tpu.memory_space<vmem>>, vector<16xf32>,
      %mul3A_512 = arith.mulf %scan3A_396, %gather3A_403 : vector<16xf32>
      %add3A_513 = arith.addf %get3A_502, %mul3A_512 : vector<16xf32>
      %mul3A_514 = arith.mulf %scan3A_395, %gather3A_404 : vector<16xf32>
      %add3A_515 = arith.addf %add3A_513, %mul3A_514 : vector<16xf32>
      %multiple_of3A_516 = tpu.assume_multiple %add3A_499, 16 : i32
      %swap3A_517 = arith.index_cast %multiple_of3A_516 : i32 to index
      %swap3A_518 = tpu.vector_load %arg14[%swap3A_517] {strides = array<i32>} : memref<8192xf32, #tpu.memory_space<vmem>>, vector<16xf32>,
      tpu.vector_store %arg14[%swap3A_517], %add3A_515 {strides = array<i32>} : memref<8192xf32, #tpu.memory_space<vmem>>, vector<16xf32>,
      %multiple_of3A_519 = tpu.assume_multiple %add3A_499, 16 : i32
      %get3A_520 = arith.index_cast %multiple_of3A_519 : i32 to index
      %get3A_521 = tpu.vector_load %arg11[%get3A_520] {strides = array<i32>} : memref<8192xf32, #tpu.memory_space<vmem>>, vector<16xf32>,
      %mul3A_522 = arith.mulf %scan3A_394, %gather3A_405 : vector<16xf32>
      %add3A_523 = arith.addf %get3A_521, %mul3A_522 : vector<16xf32>
      %mul3A_524 = arith.mulf %scan3A_393, %gather3A_406 : vector<16xf32>
      %add3A_525 = arith.addf %add3A_523, %mul3A_524 : vector<16xf32>
      %add3A_526 = arith.constant 496 : i32
      %add3A_527 = arith.addi %add3A_499, %add3A_526 : i32
      %multiple_of3A_528 = tpu.assume_multiple %add3A_527, 16 : i32
      %swap3A_529 = arith.index_cast %multiple_of3A_528 : i32 to index
      %swap3A_530 = tpu.vector_load %arg13[%swap3A_529] {strides = array<i32>} : memref<8688xf32, #tpu.memory_space<vmem>>, vector<16xf32>,
      tpu.vector_store %arg13[%swap3A_529], %add3A_525 {strides = array<i32>} : memref<8688xf32, #tpu.memory_space<vmem>>, vector<16xf32>,
      %mul3A_531 = arith.mulf %scan3A_396, %gather3A_405 : vector<16xf32>
      %add3A_532 = arith.addf %get3A_521, %mul3A_531 : vector<16xf32>
      %mul3A_533 = arith.mulf %scan3A_395, %gather3A_406 : vector<16xf32>
      %add3A_534 = arith.addf %add3A_532, %mul3A_533 : vector<16xf32>
      %multiple_of3A_535 = tpu.assume_multiple %add3A_499, 16 : i32
      %swap3A_536 = arith.index_cast %multiple_of3A_535 : i32 to index
      %swap3A_537 = tpu.vector_load %arg15[%swap3A_536] {strides = array<i32>} : memref<8192xf32, #tpu.memory_space<vmem>>, vector<16xf32>,
      tpu.vector_store %arg15[%swap3A_536], %add3A_534 {strides = array<i32>} : memref<8192xf32, #tpu.memory_space<vmem>>, vector<16xf32>,
      %add3A_538 = arith.constant 48 : i32
      %add3A_539 = arith.addi %mul3A_399, %add3A_538 : i32
      %add3A_540 = arith.constant 496 : i32
      %add3A_541 = arith.addi %add3A_539, %add3A_540 : i32
      %sub3A_542 = arith.constant 485 : i32
      %sub3A_543 = arith.subi %add3A_541, %sub3A_542 : i32
      %add3A_544 = vector.broadcast %sub3A_543 : i32 to vector<16xi32>
      %add3A_545 = arith.addi %add3A_544, %iota3A : vector<16xi32>
      %add3A_546 = vector.broadcast %select_n3A_484 : i32 to vector<16xi32>
      %add3A_547 = arith.addi %add3A_546, %iota3A : vector<16xi32>
      %ge3A_548 = arith.constant 485 : i32
      %ge3A_549 = vector.broadcast %ge3A_548 : i32 to vector<16xi32>
      %ge3A_550 = arith.cmpi sge, %add3A_547, %ge3A_549 : vector<16xi32>
      %sub3A_551 = arith.constant 485 : i32
      %sub3A_552 = vector.broadcast %sub3A_551 : i32 to vector<16xi32>
      %sub3A_553 = arith.subi %add3A_547, %sub3A_552 : vector<16xi32>
      %select_n3A_554 = arith.select %ge3A_550, %sub3A_553, %add3A_547 : vector<16xi1>, vector<16xi32>
      %convert_element_type3A_555 = arith.sitofp %select_n3A_554 : vector<16xi32> to vector<16xf32>
      %multiple_of3A_556 = tpu.assume_multiple %add3A_539, 16 : i32
      %get3A_557 = arith.index_cast %multiple_of3A_556 : i32 to index
      %get3A_558 = tpu.vector_load %arg9[%get3A_557] {strides = array<i32>} : memref<8224xf32, #tpu.memory_space<vmem>>, vector<16xf32>,
      %mul3A_559 = arith.mulf %mul3A_208, %get3A_558 : vector<16xf32>
      %add3A_560 = vector.broadcast %scan3A : f32 to vector<16xf32>
      %add3A_561 = arith.addf %mul3A_559, %add3A_560 : vector<16xf32>
      %sub3A_562 = arith.subf %convert_element_type3A_555, %add3A_561 : vector<16xf32>
      %add3A_563 = vector.broadcast %scan3A_323 : f32 to vector<16xf32>
      %add3A_564 = arith.addf %sub3A_562, %add3A_563 : vector<16xf32>
      %convert_element_type3A_565 = arith.fptosi %add3A_564 : vector<16xf32> to vector<16xi32>
      %convert_element_type3A_566 = arith.sitofp %convert_element_type3A_565 : vector<16xi32> to vector<16xf32>
      %sub3A_567 = arith.subf %add3A_564, %convert_element_type3A_566 : vector<16xf32>
      %sub3A_568 = arith.constant 1.000000e+00 : f32
      %sub3A_569 = vector.broadcast %sub3A_568 : f32 to vector<16xf32>
      %sub3A_570 = arith.subf %sub3A_569, %sub3A_567 : vector<16xf32>
      %add3A_571 = arith.constant 16 : i32
      %add3A_572 = arith.addi %select_n3A_484, %add3A_571 : i32
      %ge3A_573 = arith.constant 485 : i32
      %ge3A_574 = arith.cmpi sge, %add3A_572, %ge3A_573 : i32
      %sub3A_575 = arith.constant 485 : i32
      %sub3A_576 = arith.subi %add3A_572, %sub3A_575 : i32
      %select_n3A_577 = arith.select %ge3A_574, %sub3A_576, %add3A_572 : i32
      %sub3A_578 = arith.subi %add3A_545, %select_n3A_554 : vector<16xi32>
      %add3A_579 = arith.addi %sub3A_578, %convert_element_type3A_565 : vector<16xi32>
      %mul3A_580 = arith.mulf %gather3A, %sub3A_567 : vector<16xf32>
      %mul3A_581 = arith.mulf %gather3A, %sub3A_570 : vector<16xf32>
      %mul3A_582 = arith.mulf %mul3A_209, %sub3A_567 : vector<16xf32>
      %mul3A_583 = arith.mulf %mul3A_209, %sub3A_570 : vector<16xf32>
      scf.yield %mul3A_487, %mul3A_488, %mul3A_489, %mul3A_490, %gather3A_494, %gather3A_495, %gather3A_496, %gather3A_497, %add3A_579, %mul3A_580, %mul3A_581, %mul3A_582, %mul3A_583, %select_n3A_577 : vector<16xf32>, vector<16xf32>, vector<16xf32>, vector<16xf32>, vector<16xf32>, vector<16xf32>, vector<16xf32>, vector<16xf32>, vector<16xi32>, vector<16xf32>, vector<16xf32>, vector<16xf32>, vector<16xf32>, i32
    }
    %scan3A_329 = arith.constant 128 : i32
    %dma_start3A_330 = arith.constant 0 : i32
    %dma_start3A_331 = arith.constant 0 : i32
    %dma_start3A_332 = tpu.memref_slice %arg14[%dma_start3A_331] : memref<8192xf32, #tpu.memory_space<vmem>> -> memref<4096xf32, #tpu.memory_space<vmem>>
    %dma_start3A_333 = arith.constant 0 : i32
    %dma_start3A_334 = tpu.memref_slice %arg8[%add3A, %dma_start3A_330, %dma_start3A_333] : memref<32x2x8192xf32, #tpu.memory_space<hbm>> -> memref<1x1x4096xf32, #tpu.memory_space<hbm>>
    %dma_start3A_335 = tpu.memref_squeeze %dma_start3A_334 : memref<1x1x4096xf32, #tpu.memory_space<hbm>> -> memref<4096xf32, #tpu.memory_space<hbm>>
    %dma_start3A_336 = arith.constant 0 : i32
    %dma_start3A_337 = tpu.memref_slice %arg8[%add3A, %dma_start3A_330, %dma_start3A_336] : memref<32x2x8192xf32, #tpu.memory_space<hbm>> -> memref<1x1x4096xf32, #tpu.memory_space<hbm>>
    %dma_start3A_338 = tpu.memref_squeeze %dma_start3A_337 : memref<1x1x4096xf32, #tpu.memory_space<hbm>> -> memref<4096xf32, #tpu.memory_space<hbm>>
    %dma_start3A_339 = arith.constant 0 : i32
    %dma_start3A_340 = tpu.memref_slice %arg14[%dma_start3A_339] : memref<8192xf32, #tpu.memory_space<vmem>> -> memref<4096xf32, #tpu.memory_space<vmem>>
    tpu.enqueue_dma source(%dma_start3A_340 : memref<4096xf32, #tpu.memory_space<vmem>>) target(%dma_start3A_338 : memref<4096xf32, #tpu.memory_space<hbm>>) target_semaphore(%arg19 : memref<!tpu.dma_semaphore, #tpu.memory_space<semaphore_mem>>)
    %dma_start3A_341 = arith.constant 1 : i32
    %dma_start3A_342 = arith.constant 0 : i32
    %dma_start3A_343 = tpu.memref_slice %arg15[%dma_start3A_342] : memref<8192xf32, #tpu.memory_space<vmem>> -> memref<4096xf32, #tpu.memory_space<vmem>>
    %dma_start3A_344 = arith.constant 0 : i32
    %dma_start3A_345 = tpu.memref_slice %arg8[%add3A, %dma_start3A_341, %dma_start3A_344] : memref<32x2x8192xf32, #tpu.memory_space<hbm>> -> memref<1x1x4096xf32, #tpu.memory_space<hbm>>
    %dma_start3A_346 = tpu.memref_squeeze %dma_start3A_345 : memref<1x1x4096xf32, #tpu.memory_space<hbm>> -> memref<4096xf32, #tpu.memory_space<hbm>>
    %dma_start3A_347 = arith.constant 0 : i32
    %dma_start3A_348 = tpu.memref_slice %arg8[%add3A, %dma_start3A_341, %dma_start3A_347] : memref<32x2x8192xf32, #tpu.memory_space<hbm>> -> memref<1x1x4096xf32, #tpu.memory_space<hbm>>
    %dma_start3A_349 = tpu.memref_squeeze %dma_start3A_348 : memref<1x1x4096xf32, #tpu.memory_space<hbm>> -> memref<4096xf32, #tpu.memory_space<hbm>>
    %dma_start3A_350 = arith.constant 0 : i32
    %dma_start3A_351 = tpu.memref_slice %arg15[%dma_start3A_350] : memref<8192xf32, #tpu.memory_space<vmem>> -> memref<4096xf32, #tpu.memory_space<vmem>>
    tpu.enqueue_dma source(%dma_start3A_351 : memref<4096xf32, #tpu.memory_space<vmem>>) target(%dma_start3A_349 : memref<4096xf32, #tpu.memory_space<hbm>>) target_semaphore(%arg19 : memref<!tpu.dma_semaphore, #tpu.memory_space<semaphore_mem>>)
    %scan3A_352 = arith.constant 4.400000e+01 : f32
    %scan3A_353 = arith.constant 4.850000e+02 : f32
    %scan3A_354 = arith.constant 128 : i32
    %scan3A_355 = arith.constant 128 : i32
    %scan3A_356 = arith.addi %scan3A_354, %scan3A_355 : i32
    %scan3A_357 = arith.constant 1 : i32
    %scan3A_358:14 = scf.for %scan3A_383 = %scan3A_354 to %scan3A_356 step %scan3A_357 iter_args(%scan3A_384 = %scan3A_328#0, %scan3A_385 = %scan3A_328#1, %scan3A_386 = %scan3A_328#2, %scan3A_387 = %scan3A_328#3, %scan3A_388 = %scan3A_328#4, %scan3A_389 = %scan3A_328#5, %scan3A_390 = %scan3A_328#6, %scan3A_391 = %scan3A_328#7, %scan3A_392 = %scan3A_328#8, %scan3A_393 = %scan3A_328#9, %scan3A_394 = %scan3A_328#10, %scan3A_395 = %scan3A_328#11, %scan3A_396 = %scan3A_328#12, %scan3A_397 = %scan3A_328#13) -> (vector<16xf32>, vector<16xf32>, vector<16xf32>, vector<16xf32>, vector<16xf32>, vector<16xf32>, vector<16xf32>, vector<16xf32>, vector<16xi32>, vector<16xf32>, vector<16xf32>, vector<16xf32>, vector<16xf32>, i32)  : i32 {
      %mul3A_398 = arith.constant 32 : i32
      %mul3A_399 = arith.muli %scan3A_383, %mul3A_398 : i32
      %add3A_400 = arith.constant 1 : i32
      %add3A_401 = vector.broadcast %add3A_400 : i32 to vector<16xi32>
      %add3A_402 = arith.addi %scan3A_392, %add3A_401 : vector<16xi32>
      %gather3A_403 = tpu.vector_load_idx %arg12[%scan3A_392] : memref<8688xf32, #tpu.memory_space<vmem>>[vector<16xi32>], vector<16xf32>,
      %gather3A_404 = tpu.vector_load_idx %arg12[%add3A_402] : memref<8688xf32, #tpu.memory_space<vmem>>[vector<16xi32>], vector<16xf32>,
      %gather3A_405 = tpu.vector_load_idx %arg13[%scan3A_392] : memref<8688xf32, #tpu.memory_space<vmem>>[vector<16xi32>], vector<16xf32>,
      %gather3A_406 = tpu.vector_load_idx %arg13[%add3A_402] : memref<8688xf32, #tpu.memory_space<vmem>>[vector<16xi32>], vector<16xf32>,
      %multiple_of3A_407 = tpu.assume_multiple %mul3A_399, 16 : i32
      %get3A_408 = arith.index_cast %multiple_of3A_407 : i32 to index
      %get3A_409 = tpu.vector_load %arg10[%get3A_408] {strides = array<i32>} : memref<8192xf32, #tpu.memory_space<vmem>>, vector<16xf32>,
      %mul3A_410 = arith.mulf %scan3A_385, %scan3A_388 : vector<16xf32>
      %add3A_411 = arith.addf %get3A_409, %mul3A_410 : vector<16xf32>
      %mul3A_412 = arith.mulf %scan3A_384, %scan3A_389 : vector<16xf32>
      %add3A_413 = arith.addf %add3A_411, %mul3A_412 : vector<16xf32>
      %add3A_414 = arith.constant 496 : i32
      %add3A_415 = arith.addi %mul3A_399, %add3A_414 : i32
      %multiple_of3A_416 = tpu.assume_multiple %add3A_415, 16 : i32
      %swap3A_417 = arith.index_cast %multiple_of3A_416 : i32 to index
      %swap3A_418 = tpu.vector_load %arg12[%swap3A_417] {strides = array<i32>} : memref<8688xf32, #tpu.memory_space<vmem>>, vector<16xf32>,
      tpu.vector_store %arg12[%swap3A_417], %add3A_413 {strides = array<i32>} : memref<8688xf32, #tpu.memory_space<vmem>>, vector<16xf32>,
      %mul3A_419 = arith.mulf %scan3A_387, %scan3A_388 : vector<16xf32>
      %add3A_420 = arith.addf %get3A_409, %mul3A_419 : vector<16xf32>
      %mul3A_421 = arith.mulf %scan3A_386, %scan3A_389 : vector<16xf32>
      %add3A_422 = arith.addf %add3A_420, %mul3A_421 : vector<16xf32>
      %multiple_of3A_423 = tpu.assume_multiple %mul3A_399, 16 : i32
      %swap3A_424 = arith.index_cast %multiple_of3A_423 : i32 to index
      %swap3A_425 = tpu.vector_load %arg14[%swap3A_424] {strides = array<i32>} : memref<8192xf32, #tpu.memory_space<vmem>>, vector<16xf32>,
      tpu.vector_store %arg14[%swap3A_424], %add3A_422 {strides = array<i32>} : memref<8192xf32, #tpu.memory_space<vmem>>, vector<16xf32>,
      %multiple_of3A_426 = tpu.assume_multiple %mul3A_399, 16 : i32
      %get3A_427 = arith.index_cast %multiple_of3A_426 : i32 to index
      %get3A_428 = tpu.vector_load %arg11[%get3A_427] {strides = array<i32>} : memref<8192xf32, #tpu.memory_space<vmem>>, vector<16xf32>,
      %mul3A_429 = arith.mulf %scan3A_385, %scan3A_390 : vector<16xf32>
      %add3A_430 = arith.addf %get3A_428, %mul3A_429 : vector<16xf32>
      %mul3A_431 = arith.mulf %scan3A_384, %scan3A_391 : vector<16xf32>
      %add3A_432 = arith.addf %add3A_430, %mul3A_431 : vector<16xf32>
      %add3A_433 = arith.constant 496 : i32
      %add3A_434 = arith.addi %mul3A_399, %add3A_433 : i32
      %multiple_of3A_435 = tpu.assume_multiple %add3A_434, 16 : i32
      %swap3A_436 = arith.index_cast %multiple_of3A_435 : i32 to index
      %swap3A_437 = tpu.vector_load %arg13[%swap3A_436] {strides = array<i32>} : memref<8688xf32, #tpu.memory_space<vmem>>, vector<16xf32>,
      tpu.vector_store %arg13[%swap3A_436], %add3A_432 {strides = array<i32>} : memref<8688xf32, #tpu.memory_space<vmem>>, vector<16xf32>,
      %mul3A_438 = arith.mulf %scan3A_387, %scan3A_390 : vector<16xf32>
      %add3A_439 = arith.addf %get3A_428, %mul3A_438 : vector<16xf32>
      %mul3A_440 = arith.mulf %scan3A_386, %scan3A_391 : vector<16xf32>
      %add3A_441 = arith.addf %add3A_439, %mul3A_440 : vector<16xf32>
      %multiple_of3A_442 = tpu.assume_multiple %mul3A_399, 16 : i32
      %swap3A_443 = arith.index_cast %multiple_of3A_442 : i32 to index
      %swap3A_444 = tpu.vector_load %arg15[%swap3A_443] {strides = array<i32>} : memref<8192xf32, #tpu.memory_space<vmem>>, vector<16xf32>,
      tpu.vector_store %arg15[%swap3A_443], %add3A_441 {strides = array<i32>} : memref<8192xf32, #tpu.memory_space<vmem>>, vector<16xf32>,
      %add3A_445 = arith.constant 32 : i32
      %add3A_446 = arith.addi %mul3A_399, %add3A_445 : i32
      %add3A_447 = arith.constant 496 : i32
      %add3A_448 = arith.addi %add3A_446, %add3A_447 : i32
      %sub3A_449 = arith.constant 485 : i32
      %sub3A_450 = arith.subi %add3A_448, %sub3A_449 : i32
      %add3A_451 = vector.broadcast %sub3A_450 : i32 to vector<16xi32>
      %add3A_452 = arith.addi %add3A_451, %iota3A : vector<16xi32>
      %add3A_453 = vector.broadcast %scan3A_397 : i32 to vector<16xi32>
      %add3A_454 = arith.addi %add3A_453, %iota3A : vector<16xi32>
      %ge3A_455 = arith.constant 485 : i32
      %ge3A_456 = vector.broadcast %ge3A_455 : i32 to vector<16xi32>
      %ge3A_457 = arith.cmpi sge, %add3A_454, %ge3A_456 : vector<16xi32>
      %sub3A_458 = arith.constant 485 : i32
      %sub3A_459 = vector.broadcast %sub3A_458 : i32 to vector<16xi32>
      %sub3A_460 = arith.subi %add3A_454, %sub3A_459 : vector<16xi32>
      %select_n3A_461 = arith.select %ge3A_457, %sub3A_460, %add3A_454 : vector<16xi1>, vector<16xi32>
      %convert_element_type3A_462 = arith.sitofp %select_n3A_461 : vector<16xi32> to vector<16xf32>
      %multiple_of3A_463 = tpu.assume_multiple %add3A_446, 16 : i32
      %get3A_464 = arith.index_cast %multiple_of3A_463 : i32 to index
      %get3A_465 = tpu.vector_load %arg9[%get3A_464] {strides = array<i32>} : memref<8224xf32, #tpu.memory_space<vmem>>, vector<16xf32>,
      %mul3A_466 = arith.mulf %mul3A_208, %get3A_465 : vector<16xf32>
      %add3A_467 = vector.broadcast %scan3A_352 : f32 to vector<16xf32>
      %add3A_468 = arith.addf %mul3A_466, %add3A_467 : vector<16xf32>
      %sub3A_469 = arith.subf %convert_element_type3A_462, %add3A_468 : vector<16xf32>
      %add3A_470 = vector.broadcast %scan3A_353 : f32 to vector<16xf32>
      %add3A_471 = arith.addf %sub3A_469, %add3A_470 : vector<16xf32>
      %convert_element_type3A_472 = arith.fptosi %add3A_471 : vector<16xf32> to vector<16xi32>
      %convert_element_type3A_473 = arith.sitofp %convert_element_type3A_472 : vector<16xi32> to vector<16xf32>
      %sub3A_474 = arith.subf %add3A_471, %convert_element_type3A_473 : vector<16xf32>
      %sub3A_475 = arith.constant 1.000000e+00 : f32
      %sub3A_476 = vector.broadcast %sub3A_475 : f32 to vector<16xf32>
      %sub3A_477 = arith.subf %sub3A_476, %sub3A_474 : vector<16xf32>
      %add3A_478 = arith.constant 16 : i32
      %add3A_479 = arith.addi %scan3A_397, %add3A_478 : i32
      %ge3A_480 = arith.constant 485 : i32
      %ge3A_481 = arith.cmpi sge, %add3A_479, %ge3A_480 : i32
      %sub3A_482 = arith.constant 485 : i32
      %sub3A_483 = arith.subi %add3A_479, %sub3A_482 : i32
      %select_n3A_484 = arith.select %ge3A_481, %sub3A_483, %add3A_479 : i32
      %sub3A_485 = arith.subi %add3A_452, %select_n3A_461 : vector<16xi32>
      %add3A_486 = arith.addi %sub3A_485, %convert_element_type3A_472 : vector<16xi32>
      %mul3A_487 = arith.mulf %gather3A, %sub3A_474 : vector<16xf32>
      %mul3A_488 = arith.mulf %gather3A, %sub3A_477 : vector<16xf32>
      %mul3A_489 = arith.mulf %mul3A_209, %sub3A_474 : vector<16xf32>
      %mul3A_490 = arith.mulf %mul3A_209, %sub3A_477 : vector<16xf32>
      %add3A_491 = arith.constant 1 : i32
      %add3A_492 = vector.broadcast %add3A_491 : i32 to vector<16xi32>
      %add3A_493 = arith.addi %add3A_486, %add3A_492 : vector<16xi32>
      %gather3A_494 = tpu.vector_load_idx %arg12[%add3A_486] : memref<8688xf32, #tpu.memory_space<vmem>>[vector<16xi32>], vector<16xf32>,
      %gather3A_495 = tpu.vector_load_idx %arg12[%add3A_493] : memref<8688xf32, #tpu.memory_space<vmem>>[vector<16xi32>], vector<16xf32>,
      %gather3A_496 = tpu.vector_load_idx %arg13[%add3A_486] : memref<8688xf32, #tpu.memory_space<vmem>>[vector<16xi32>], vector<16xf32>,
      %gather3A_497 = tpu.vector_load_idx %arg13[%add3A_493] : memref<8688xf32, #tpu.memory_space<vmem>>[vector<16xi32>], vector<16xf32>,
      %add3A_498 = arith.constant 16 : i32
      %add3A_499 = arith.addi %mul3A_399, %add3A_498 : i32
      %multiple_of3A_500 = tpu.assume_multiple %add3A_499, 16 : i32
      %get3A_501 = arith.index_cast %multiple_of3A_500 : i32 to index
      %get3A_502 = tpu.vector_load %arg10[%get3A_501] {strides = array<i32>} : memref<8192xf32, #tpu.memory_space<vmem>>, vector<16xf32>,
      %mul3A_503 = arith.mulf %scan3A_394, %gather3A_403 : vector<16xf32>
      %add3A_504 = arith.addf %get3A_502, %mul3A_503 : vector<16xf32>
      %mul3A_505 = arith.mulf %scan3A_393, %gather3A_404 : vector<16xf32>
      %add3A_506 = arith.addf %add3A_504, %mul3A_505 : vector<16xf32>
      %add3A_507 = arith.constant 496 : i32
      %add3A_508 = arith.addi %add3A_499, %add3A_507 : i32
      %multiple_of3A_509 = tpu.assume_multiple %add3A_508, 16 : i32
      %swap3A_510 = arith.index_cast %multiple_of3A_509 : i32 to index
      %swap3A_511 = tpu.vector_load %arg12[%swap3A_510] {strides = array<i32>} : memref<8688xf32, #tpu.memory_space<vmem>>, vector<16xf32>,
      tpu.vector_store %arg12[%swap3A_510], %add3A_506 {strides = array<i32>} : memref<8688xf32, #tpu.memory_space<vmem>>, vector<16xf32>,
      %mul3A_512 = arith.mulf %scan3A_396, %gather3A_403 : vector<16xf32>
      %add3A_513 = arith.addf %get3A_502, %mul3A_512 : vector<16xf32>
      %mul3A_514 = arith.mulf %scan3A_395, %gather3A_404 : vector<16xf32>
      %add3A_515 = arith.addf %add3A_513, %mul3A_514 : vector<16xf32>
      %multiple_of3A_516 = tpu.assume_multiple %add3A_499, 16 : i32
      %swap3A_517 = arith.index_cast %multiple_of3A_516 : i32 to index
      %swap3A_518 = tpu.vector_load %arg14[%swap3A_517] {strides = array<i32>} : memref<8192xf32, #tpu.memory_space<vmem>>, vector<16xf32>,
      tpu.vector_store %arg14[%swap3A_517], %add3A_515 {strides = array<i32>} : memref<8192xf32, #tpu.memory_space<vmem>>, vector<16xf32>,
      %multiple_of3A_519 = tpu.assume_multiple %add3A_499, 16 : i32
      %get3A_520 = arith.index_cast %multiple_of3A_519 : i32 to index
      %get3A_521 = tpu.vector_load %arg11[%get3A_520] {strides = array<i32>} : memref<8192xf32, #tpu.memory_space<vmem>>, vector<16xf32>,
      %mul3A_522 = arith.mulf %scan3A_394, %gather3A_405 : vector<16xf32>
      %add3A_523 = arith.addf %get3A_521, %mul3A_522 : vector<16xf32>
      %mul3A_524 = arith.mulf %scan3A_393, %gather3A_406 : vector<16xf32>
      %add3A_525 = arith.addf %add3A_523, %mul3A_524 : vector<16xf32>
      %add3A_526 = arith.constant 496 : i32
      %add3A_527 = arith.addi %add3A_499, %add3A_526 : i32
      %multiple_of3A_528 = tpu.assume_multiple %add3A_527, 16 : i32
      %swap3A_529 = arith.index_cast %multiple_of3A_528 : i32 to index
      %swap3A_530 = tpu.vector_load %arg13[%swap3A_529] {strides = array<i32>} : memref<8688xf32, #tpu.memory_space<vmem>>, vector<16xf32>,
      tpu.vector_store %arg13[%swap3A_529], %add3A_525 {strides = array<i32>} : memref<8688xf32, #tpu.memory_space<vmem>>, vector<16xf32>,
      %mul3A_531 = arith.mulf %scan3A_396, %gather3A_405 : vector<16xf32>
      %add3A_532 = arith.addf %get3A_521, %mul3A_531 : vector<16xf32>
      %mul3A_533 = arith.mulf %scan3A_395, %gather3A_406 : vector<16xf32>
      %add3A_534 = arith.addf %add3A_532, %mul3A_533 : vector<16xf32>
      %multiple_of3A_535 = tpu.assume_multiple %add3A_499, 16 : i32
      %swap3A_536 = arith.index_cast %multiple_of3A_535 : i32 to index
      %swap3A_537 = tpu.vector_load %arg15[%swap3A_536] {strides = array<i32>} : memref<8192xf32, #tpu.memory_space<vmem>>, vector<16xf32>,
      tpu.vector_store %arg15[%swap3A_536], %add3A_534 {strides = array<i32>} : memref<8192xf32, #tpu.memory_space<vmem>>, vector<16xf32>,
      %add3A_538 = arith.constant 48 : i32
      %add3A_539 = arith.addi %mul3A_399, %add3A_538 : i32
      %add3A_540 = arith.constant 496 : i32
      %add3A_541 = arith.addi %add3A_539, %add3A_540 : i32
      %sub3A_542 = arith.constant 485 : i32
      %sub3A_543 = arith.subi %add3A_541, %sub3A_542 : i32
      %add3A_544 = vector.broadcast %sub3A_543 : i32 to vector<16xi32>
      %add3A_545 = arith.addi %add3A_544, %iota3A : vector<16xi32>
      %add3A_546 = vector.broadcast %select_n3A_484 : i32 to vector<16xi32>
      %add3A_547 = arith.addi %add3A_546, %iota3A : vector<16xi32>
      %ge3A_548 = arith.constant 485 : i32
      %ge3A_549 = vector.broadcast %ge3A_548 : i32 to vector<16xi32>
      %ge3A_550 = arith.cmpi sge, %add3A_547, %ge3A_549 : vector<16xi32>
      %sub3A_551 = arith.constant 485 : i32
      %sub3A_552 = vector.broadcast %sub3A_551 : i32 to vector<16xi32>
      %sub3A_553 = arith.subi %add3A_547, %sub3A_552 : vector<16xi32>
      %select_n3A_554 = arith.select %ge3A_550, %sub3A_553, %add3A_547 : vector<16xi1>, vector<16xi32>
      %convert_element_type3A_555 = arith.sitofp %select_n3A_554 : vector<16xi32> to vector<16xf32>
      %multiple_of3A_556 = tpu.assume_multiple %add3A_539, 16 : i32
      %get3A_557 = arith.index_cast %multiple_of3A_556 : i32 to index
      %get3A_558 = tpu.vector_load %arg9[%get3A_557] {strides = array<i32>} : memref<8224xf32, #tpu.memory_space<vmem>>, vector<16xf32>,
      %mul3A_559 = arith.mulf %mul3A_208, %get3A_558 : vector<16xf32>
      %add3A_560 = vector.broadcast %scan3A_352 : f32 to vector<16xf32>
      %add3A_561 = arith.addf %mul3A_559, %add3A_560 : vector<16xf32>
      %sub3A_562 = arith.subf %convert_element_type3A_555, %add3A_561 : vector<16xf32>
      %add3A_563 = vector.broadcast %scan3A_353 : f32 to vector<16xf32>
      %add3A_564 = arith.addf %sub3A_562, %add3A_563 : vector<16xf32>
      %convert_element_type3A_565 = arith.fptosi %add3A_564 : vector<16xf32> to vector<16xi32>
      %convert_element_type3A_566 = arith.sitofp %convert_element_type3A_565 : vector<16xi32> to vector<16xf32>
      %sub3A_567 = arith.subf %add3A_564, %convert_element_type3A_566 : vector<16xf32>
      %sub3A_568 = arith.constant 1.000000e+00 : f32
      %sub3A_569 = vector.broadcast %sub3A_568 : f32 to vector<16xf32>
      %sub3A_570 = arith.subf %sub3A_569, %sub3A_567 : vector<16xf32>
      %add3A_571 = arith.constant 16 : i32
      %add3A_572 = arith.addi %select_n3A_484, %add3A_571 : i32
      %ge3A_573 = arith.constant 485 : i32
      %ge3A_574 = arith.cmpi sge, %add3A_572, %ge3A_573 : i32
      %sub3A_575 = arith.constant 485 : i32
      %sub3A_576 = arith.subi %add3A_572, %sub3A_575 : i32
      %select_n3A_577 = arith.select %ge3A_574, %sub3A_576, %add3A_572 : i32
      %sub3A_578 = arith.subi %add3A_545, %select_n3A_554 : vector<16xi32>
      %add3A_579 = arith.addi %sub3A_578, %convert_element_type3A_565 : vector<16xi32>
      %mul3A_580 = arith.mulf %gather3A, %sub3A_567 : vector<16xf32>
      %mul3A_581 = arith.mulf %gather3A, %sub3A_570 : vector<16xf32>
      %mul3A_582 = arith.mulf %mul3A_209, %sub3A_567 : vector<16xf32>
      %mul3A_583 = arith.mulf %mul3A_209, %sub3A_570 : vector<16xf32>
      scf.yield %mul3A_487, %mul3A_488, %mul3A_489, %mul3A_490, %gather3A_494, %gather3A_495, %gather3A_496, %gather3A_497, %add3A_579, %mul3A_580, %mul3A_581, %mul3A_582, %mul3A_583, %select_n3A_577 : vector<16xf32>, vector<16xf32>, vector<16xf32>, vector<16xf32>, vector<16xf32>, vector<16xf32>, vector<16xf32>, vector<16xf32>, vector<16xi32>, vector<16xf32>, vector<16xf32>, vector<16xf32>, vector<16xf32>, i32
    }
    %scan3A_359 = arith.constant 128 : i32
    %run_scoped3A = arith.constant 0 : i32
    "tpu.region"() ({
      %run_scoped3A_383 = tpu.sem_alloc : memref<!tpu.dma_semaphore, #tpu.memory_space<semaphore_mem>>
      %dma_start3A_384 = arith.constant 4096 : i32
      %dma_start3A_385 = tpu.memref_slice %arg14[%dma_start3A_384] : memref<8192xf32, #tpu.memory_space<vmem>> -> memref<4096xf32, #tpu.memory_space<vmem>>
      %dma_start3A_386 = arith.constant 4096 : i32
      %dma_start3A_387 = tpu.memref_slice %arg8[%add3A, %run_scoped3A, %dma_start3A_386] : memref<32x2x8192xf32, #tpu.memory_space<hbm>> -> memref<1x1x4096xf32, #tpu.memory_space<hbm>>
      %dma_start3A_388 = tpu.memref_squeeze %dma_start3A_387 : memref<1x1x4096xf32, #tpu.memory_space<hbm>> -> memref<4096xf32, #tpu.memory_space<hbm>>
      %dma_start3A_389 = arith.constant 4096 : i32
      %dma_start3A_390 = tpu.memref_slice %arg8[%add3A, %run_scoped3A, %dma_start3A_389] : memref<32x2x8192xf32, #tpu.memory_space<hbm>> -> memref<1x1x4096xf32, #tpu.memory_space<hbm>>
      %dma_start3A_391 = tpu.memref_squeeze %dma_start3A_390 : memref<1x1x4096xf32, #tpu.memory_space<hbm>> -> memref<4096xf32, #tpu.memory_space<hbm>>
      %dma_start3A_392 = arith.constant 4096 : i32
      %dma_start3A_393 = tpu.memref_slice %arg14[%dma_start3A_392] : memref<8192xf32, #tpu.memory_space<vmem>> -> memref<4096xf32, #tpu.memory_space<vmem>>
      tpu.enqueue_dma source(%dma_start3A_393 : memref<4096xf32, #tpu.memory_space<vmem>>) target(%dma_start3A_391 : memref<4096xf32, #tpu.memory_space<hbm>>) target_semaphore(%run_scoped3A_383 : memref<!tpu.dma_semaphore, #tpu.memory_space<semaphore_mem>>)
      %dma_wait3A_394 = arith.constant 4096 : i32
      %dma_wait3A_395 = tpu.memref_slice %arg14[%dma_wait3A_394] : memref<8192xf32, #tpu.memory_space<vmem>> -> memref<4096xf32, #tpu.memory_space<vmem>>
      %dma_wait3A_396 = arith.constant 4096 : i32
      %dma_wait3A_397 = tpu.memref_slice %arg8[%add3A, %run_scoped3A, %dma_wait3A_396] : memref<32x2x8192xf32, #tpu.memory_space<hbm>> -> memref<1x1x4096xf32, #tpu.memory_space<hbm>>
      %dma_wait3A_398 = tpu.memref_squeeze %dma_wait3A_397 : memref<1x1x4096xf32, #tpu.memory_space<hbm>> -> memref<4096xf32, #tpu.memory_space<hbm>>
      %dma_wait3A_399 = arith.constant 4096 : i32
      %dma_wait3A_400 = tpu.memref_slice %arg8[%add3A, %run_scoped3A, %dma_wait3A_399] : memref<32x2x8192xf32, #tpu.memory_space<hbm>> -> memref<1x1x4096xf32, #tpu.memory_space<hbm>>
      %dma_wait3A_401 = tpu.memref_squeeze %dma_wait3A_400 : memref<1x1x4096xf32, #tpu.memory_space<hbm>> -> memref<4096xf32, #tpu.memory_space<hbm>>
      %dma_wait3A_402 = arith.constant 4096 : i32
      %dma_wait3A_403 = tpu.memref_slice %arg14[%dma_wait3A_402] : memref<8192xf32, #tpu.memory_space<vmem>> -> memref<4096xf32, #tpu.memory_space<vmem>>
      tpu.wait_dma2 semaphore(%run_scoped3A_383 : memref<!tpu.dma_semaphore, #tpu.memory_space<semaphore_mem>>) src(%dma_wait3A_403 : memref<4096xf32, #tpu.memory_space<vmem>>) dst(%dma_wait3A_401 : memref<4096xf32, #tpu.memory_space<hbm>>)
      tpu.yield
    }) : () -> ()
    %run_scoped3A_360 = arith.constant 1 : i32
    "tpu.region"() ({
      %run_scoped3A_383 = tpu.sem_alloc : memref<!tpu.dma_semaphore, #tpu.memory_space<semaphore_mem>>
      %dma_start3A_384 = arith.constant 4096 : i32
      %dma_start3A_385 = tpu.memref_slice %arg15[%dma_start3A_384] : memref<8192xf32, #tpu.memory_space<vmem>> -> memref<4096xf32, #tpu.memory_space<vmem>>
      %dma_start3A_386 = arith.constant 4096 : i32
      %dma_start3A_387 = tpu.memref_slice %arg8[%add3A, %run_scoped3A_360, %dma_start3A_386] : memref<32x2x8192xf32, #tpu.memory_space<hbm>> -> memref<1x1x4096xf32, #tpu.memory_space<hbm>>
      %dma_start3A_388 = tpu.memref_squeeze %dma_start3A_387 : memref<1x1x4096xf32, #tpu.memory_space<hbm>> -> memref<4096xf32, #tpu.memory_space<hbm>>
      %dma_start3A_389 = arith.constant 4096 : i32
      %dma_start3A_390 = tpu.memref_slice %arg8[%add3A, %run_scoped3A_360, %dma_start3A_389] : memref<32x2x8192xf32, #tpu.memory_space<hbm>> -> memref<1x1x4096xf32, #tpu.memory_space<hbm>>
      %dma_start3A_391 = tpu.memref_squeeze %dma_start3A_390 : memref<1x1x4096xf32, #tpu.memory_space<hbm>> -> memref<4096xf32, #tpu.memory_space<hbm>>
      %dma_start3A_392 = arith.constant 4096 : i32
      %dma_start3A_393 = tpu.memref_slice %arg15[%dma_start3A_392] : memref<8192xf32, #tpu.memory_space<vmem>> -> memref<4096xf32, #tpu.memory_space<vmem>>
      tpu.enqueue_dma source(%dma_start3A_393 : memref<4096xf32, #tpu.memory_space<vmem>>) target(%dma_start3A_391 : memref<4096xf32, #tpu.memory_space<hbm>>) target_semaphore(%run_scoped3A_383 : memref<!tpu.dma_semaphore, #tpu.memory_space<semaphore_mem>>)
      %dma_wait3A_394 = arith.constant 4096 : i32
      %dma_wait3A_395 = tpu.memref_slice %arg15[%dma_wait3A_394] : memref<8192xf32, #tpu.memory_space<vmem>> -> memref<4096xf32, #tpu.memory_space<vmem>>
      %dma_wait3A_396 = arith.constant 4096 : i32
      %dma_wait3A_397 = tpu.memref_slice %arg8[%add3A, %run_scoped3A_360, %dma_wait3A_396] : memref<32x2x8192xf32, #tpu.memory_space<hbm>> -> memref<1x1x4096xf32, #tpu.memory_space<hbm>>
      %dma_wait3A_398 = tpu.memref_squeeze %dma_wait3A_397 : memref<1x1x4096xf32, #tpu.memory_space<hbm>> -> memref<4096xf32, #tpu.memory_space<hbm>>
      %dma_wait3A_399 = arith.constant 4096 : i32
      %dma_wait3A_400 = tpu.memref_slice %arg8[%add3A, %run_scoped3A_360, %dma_wait3A_399] : memref<32x2x8192xf32, #tpu.memory_space<hbm>> -> memref<1x1x4096xf32, #tpu.memory_space<hbm>>
      %dma_wait3A_401 = tpu.memref_squeeze %dma_wait3A_400 : memref<1x1x4096xf32, #tpu.memory_space<hbm>> -> memref<4096xf32, #tpu.memory_space<hbm>>
      %dma_wait3A_402 = arith.constant 4096 : i32
      %dma_wait3A_403 = tpu.memref_slice %arg15[%dma_wait3A_402] : memref<8192xf32, #tpu.memory_space<vmem>> -> memref<4096xf32, #tpu.memory_space<vmem>>
      tpu.wait_dma2 semaphore(%run_scoped3A_383 : memref<!tpu.dma_semaphore, #tpu.memory_space<semaphore_mem>>) src(%dma_wait3A_403 : memref<4096xf32, #tpu.memory_space<vmem>>) dst(%dma_wait3A_401 : memref<4096xf32, #tpu.memory_space<hbm>>)
      tpu.yield
    }) : () -> ()
    %dma_wait3A_361 = arith.constant 0 : i32
    %dma_wait3A_362 = arith.constant 0 : i32
    %dma_wait3A_363 = tpu.memref_slice %arg14[%dma_wait3A_362] : memref<8192xf32, #tpu.memory_space<vmem>> -> memref<4096xf32, #tpu.memory_space<vmem>>
    %dma_wait3A_364 = arith.constant 0 : i32
    %dma_wait3A_365 = tpu.memref_slice %arg8[%add3A, %dma_wait3A_361, %dma_wait3A_364] : memref<32x2x8192xf32, #tpu.memory_space<hbm>> -> memref<1x1x4096xf32, #tpu.memory_space<hbm>>
    %dma_wait3A_366 = tpu.memref_squeeze %dma_wait3A_365 : memref<1x1x4096xf32, #tpu.memory_space<hbm>> -> memref<4096xf32, #tpu.memory_space<hbm>>
    %dma_wait3A_367 = arith.constant 0 : i32
    %dma_wait3A_368 = tpu.memref_slice %arg8[%add3A, %dma_wait3A_361, %dma_wait3A_367] : memref<32x2x8192xf32, #tpu.memory_space<hbm>> -> memref<1x1x4096xf32, #tpu.memory_space<hbm>>
    %dma_wait3A_369 = tpu.memref_squeeze %dma_wait3A_368 : memref<1x1x4096xf32, #tpu.memory_space<hbm>> -> memref<4096xf32, #tpu.memory_space<hbm>>
    %dma_wait3A_370 = arith.constant 0 : i32
    %dma_wait3A_371 = tpu.memref_slice %arg14[%dma_wait3A_370] : memref<8192xf32, #tpu.memory_space<vmem>> -> memref<4096xf32, #tpu.memory_space<vmem>>
    tpu.wait_dma2 semaphore(%arg19 : memref<!tpu.dma_semaphore, #tpu.memory_space<semaphore_mem>>) src(%dma_wait3A_371 : memref<4096xf32, #tpu.memory_space<vmem>>) dst(%dma_wait3A_369 : memref<4096xf32, #tpu.memory_space<hbm>>)
    %dma_wait3A_372 = arith.constant 1 : i32
    %dma_wait3A_373 = arith.constant 0 : i32
    %dma_wait3A_374 = tpu.memref_slice %arg15[%dma_wait3A_373] : memref<8192xf32, #tpu.memory_space<vmem>> -> memref<4096xf32, #tpu.memory_space<vmem>>
    %dma_wait3A_375 = arith.constant 0 : i32
    %dma_wait3A_376 = tpu.memref_slice %arg8[%add3A, %dma_wait3A_372, %dma_wait3A_375] : memref<32x2x8192xf32, #tpu.memory_space<hbm>> -> memref<1x1x4096xf32, #tpu.memory_space<hbm>>
    %dma_wait3A_377 = tpu.memref_squeeze %dma_wait3A_376 : memref<1x1x4096xf32, #tpu.memory_space<hbm>> -> memref<4096xf32, #tpu.memory_space<hbm>>
    %dma_wait3A_378 = arith.constant 0 : i32
    %dma_wait3A_379 = tpu.memref_slice %arg8[%add3A, %dma_wait3A_372, %dma_wait3A_378] : memref<32x2x8192xf32, #tpu.memory_space<hbm>> -> memref<1x1x4096xf32, #tpu.memory_space<hbm>>
    %dma_wait3A_380 = tpu.memref_squeeze %dma_wait3A_379 : memref<1x1x4096xf32, #tpu.memory_space<hbm>> -> memref<4096xf32, #tpu.memory_space<hbm>>
    %dma_wait3A_381 = arith.constant 0 : i32
    %dma_wait3A_382 = tpu.memref_slice %arg15[%dma_wait3A_381] : memref<8192xf32, #tpu.memory_space<vmem>> -> memref<4096xf32, #tpu.memory_space<vmem>>
    tpu.wait_dma2 semaphore(%arg19 : memref<!tpu.dma_semaphore, #tpu.memory_space<semaphore_mem>>) src(%dma_wait3A_382 : memref<4096xf32, #tpu.memory_space<vmem>>) dst(%dma_wait3A_380 : memref<4096xf32, #tpu.memory_space<hbm>>)
    return
  }
}

</mosaic_0001>

<sc_bundles>
// kernel: kernel.3.cloned.1.call-start
scs
__scs_entry_jumppad:
0x0: {  	(pc) =	sbr.rel $0x88, $3  }
0x1: {  	(tag) =	ssettag $0x0;
	lr =	simm.s32 $0x1  }
0x2: {  	[smem:$0x3F9B] =	sst lr;
	_ =	strace $0xD0000000  }
0x3: {  	_ = 	snop  }
0x4: {  	_ = 	snop  }
0x5: {  	_ = 	snop  }
0x6: {  	_ = 	snop  }
0x7: {  	_ = 	snop  }
__scs_overlays_trampoline_lowered:
0x8: {  	[smem:$0x3FAA] =	sst s0  }
0x9: {  	[smem:$0x3FAB] =	sst s1  }
0xa: {  	[smem:$0x3FAC] =	sst s2  }
0xb: {  	[smem:$0x3FAD] =	sst s3  }
0xc: {  	[smem:$0x3FAE] =	sst s4  }
0xd: {  	[smem:$0x3FAF] =	sst s5  }
0xe: {  	[smem:$0x3FB0] =	sst s6  }
0xf: {  	[smem:$0x3FB1] =	sst s7  }
0x10: {  	[smem:$0x3FB2] =	sst s8  }
0x11: {  	[smem:$0x3FB3] =	sst s9;
	s0 =	simm.s32 @!p0 $0x0  }
0x12: {  	s1 =	sld [smem:$0x3F99];
	s0 =	simm.s32 @p0 $0x1  }
0x13: {  	[smem:$0x3FB4] =	sst s0;
	s0 =	simm.s32 @!p1 $0x0  }
0x14: {  	s2 =	sld [smem:$0x3F98];
	s0 =	simm.s32 @p1 $0x1  }
0x15: {  	[smem:$0x3FB5] =	sst s0;
	s0 =	simm.s32 @!p2 $0x0  }
0x16: {  	s3 =	sld [smem:$0x3FDB];
	s0 =	simm.s32 @p2 $0x1  }
0x17: {  	s4 =	simm.s32 $0x1BF5;
	[smem:$0x3FB7] =	sst s0  }
0x18: {  	s0 =	sld [smem:$0x3F9A];
	_ =	swait.ge [sflag:s4], $0x0  }
0x19: {  	s7 =	sld [smem:$0x3F9B]  }
0x1a: {  	s8 =	sadd.s32 $0xFFFFE003, lr  }
0x1b: {  	s9 =	sadd.s32 $0xFFFFFEF7, lr;
	s5 =	simm.s32 $0xFFFFFFFF;
	p2 =	slt.u32 s8, $0xFFFFF086  }
0x1c: {  	p1 =	slt.u32 s9, $0xF7A;
	s5 =	simm.s32 @!p2 $0x0  }
0x1d: {  	s5 =	simm.s32 @p1 $0x1;
	p0 =	seq.s32 s7, s2  }
0x1e: {  	s7 =	smul.u32 @!p0 $0xF7A, s2;
	p2 =	seq.s32 @!p0 s5, $0x0  }
0x1f: {  	s9 =	smul.u32 $0xF7A, s1;
	s8 =	simm.s32 @!p0 $0x1BF5;
	p2 =	por !p2, p0  }
0x20: {  	[sflag:s8] =	ssyncset.s32 @!p0 $0xFFFFF086;
	s6 =	sadd.s32 @!p0 s3, s7;
	s7 =	simm.s32 @!p0 $0x108  }
0x21: {  	s3 =	sadd.s32 s3, s9;
	s6 =	sadd.s32 @!p0 $0x88, s6;
	s7 =	simm.s32 @p2 $0x1082  }
0x22: {  	[simem:s7], [sflag:s8] =	dma.local @!p0 [hbm:s6], $0xF7A  }
0x23: {  	s9 =	sor.u32 $0xD0000000, s2;
	s6 =	simm.s32 $0x108;
	_ =	swait.ge @!p0 [sflag:s8], $0x0  }
0x24: {  	s3 =	sadd.s32 $0x88, s3;
	s6 =	simm.s32 @!p1 $0x1082;
	[sflag:s4] =	ssyncset.s32 $0xFFFFF086  }
0x25: {  	[simem:s6], [sflag:s4] =	dma.local [hbm:s3], $0xF7A  }
0x26: {  	[smem:$0x3F9B] =	sst s1;
	(tag) =	ssettag s2;
	_ =	strace s9  }
0x27: {  	s1 =	sld [smem:$0x3FAB]  }
0x28: {  	s2 =	sld [smem:$0x3FAC]  }
0x29: {  	s4 =	sld [smem:$0x3FAE]  }
0x2a: {  	p0 =	seq.s32 s5, $0x0;
	s5 =	sld [smem:$0x3FAF]  }
0x2b: {  	s6 =	sld [smem:$0x3FB0]  }
0x2c: {  	s7 =	sld [smem:$0x3FB1]  }
0x2d: {  	s3 =	simm.s32 $0x108;
	s8 =	sld [smem:$0x3FB2]  }
0x2e: {  	s3 =	simm.s32 @!p0 $0x1082;
	s9 =	sld [smem:$0x3FB3]  }
0x2f: {  	lr =	sadd.s32 s0, s3;
	s0 =	sld [smem:$0x3FAA]  }
0x30: {  	s3 =	sld [smem:$0x3FAD]  }
0x31: {  	[smem:$0x3FB6] =	sst s10  }
0x32: {  	s10 =	sld [smem:$0x3FB4];
	_ =	sdelay $0x3  }
0x33: {  	p0 =	seq.s32 s10, $0x1;
	s10 =	sld [smem:$0x3FB6];
	_ =	sdelay $0x3  }
0x34: {  	[smem:$0x3FB6] =	sst s10  }
0x35: {  	s10 =	sld [smem:$0x3FB5];
	_ =	sdelay $0x3  }
0x36: {  	p1 =	seq.s32 s10, $0x1;
	s10 =	sld [smem:$0x3FB6];
	_ =	sdelay $0x3  }
0x37: {  	[smem:$0x3FB6] =	sst s10  }
0x38: {  	s10 =	sld [smem:$0x3FB7]  }
0x39: {  	_ = 	snop;
	(pc) =	sbr.ind lr, $3  }
0x3a: {  	_ = 	snop  }
0x3b: {  	_ = 	snop  }
0x3c: {  	p2 =	seq.s32 s10, $0x1;
	s10 =	sld [smem:$0x3FB6]  }
0x3d: {  	_ =	shalt  }
0x3e: {  	_ =	shalt  }
0x3f: {  	_ =	shalt  }
0x40: {  	_ =	shalt  }
0x41: {  	_ =	shalt  }
0x42: {  	_ =	shalt  }
0x43: {  	_ =	shalt  }
0x44: {  	_ =	shalt  }
0x45: {  	_ =	shalt  }
0x46: {  	_ =	shalt  }
0x47: {  	_ =	shalt  }
0x48: {  	_ =	shalt  }
0x49: {  	_ =	shalt  }
0x4a: {  	_ =	shalt  }
0x4b: {  	_ =	shalt  }
0x4c: {  	_ =	shalt  }
0x4d: {  	_ =	shalt  }
0x4e: {  	_ =	shalt  }
0x4f: {  	_ =	shalt  }
0x50: {  	_ =	shalt  }
0x51: {  	_ =	shalt  }
0x52: {  	_ =	shalt  }
0x53: {  	_ =	shalt  }
0x54: {  	_ =	shalt  }
0x55: {  	_ =	shalt  }
0x56: {  	_ =	shalt  }
0x57: {  	_ =	shalt  }
0x58: {  	_ =	shalt  }
0x59: {  	_ =	shalt  }
0x5a: {  	_ =	shalt  }
0x5b: {  	_ =	shalt  }
0x5c: {  	_ =	shalt  }
0x5d: {  	_ =	shalt  }
0x5e: {  	_ =	shalt  }
0x5f: {  	_ =	shalt  }
0x60: {  	_ =	shalt  }
0x61: {  	_ =	shalt  }
0x62: {  	_ =	shalt  }
0x63: {  	_ =	shalt  }
0x64: {  	_ =	shalt  }
0x65: {  	_ =	shalt  }
0x66: {  	_ =	shalt  }
0x67: {  	_ =	shalt  }
0x68: {  	_ =	shalt  }
0x69: {  	_ =	shalt  }
0x6a: {  	_ =	shalt  }
0x6b: {  	_ =	shalt  }
0x6c: {  	_ =	shalt  }
0x6d: {  	_ =	shalt  }
0x6e: {  	_ =	shalt  }
0x6f: {  	_ =	shalt  }
0x70: {  	_ =	shalt  }
0x71: {  	_ =	shalt  }
0x72: {  	_ =	shalt  }
0x73: {  	_ =	shalt  }
0x74: {  	_ =	shalt  }
0x75: {  	_ =	shalt  }
0x76: {  	_ =	shalt  }
0x77: {  	_ =	shalt  }
0x78: {  	_ =	shalt  }
0x79: {  	_ =	shalt  }
0x7a: {  	_ =	shalt  }
0x7b: {  	_ =	shalt  }
0x7c: {  	_ =	shalt  }
0x7d: {  	_ =	shalt  }
0x7e: {  	_ =	shalt  }
0x7f: {  	_ =	shalt  }
0x80: {  	_ =	shalt  }
0x81: {  	_ =	shalt  }
0x82: {  	_ =	shalt  }
0x83: {  	_ =	shalt  }
0x84: {  	_ =	shalt  }
0x85: {  	_ =	shalt  }
0x86: {  	_ =	shalt  }
0x87: {  	_ =	shalt  }
.Lfunc_end0:
.L_simem_size_0:
called_computation_lowered:
.L_overlay_start_0:
0x88: {  	s2 =	sld [smem:$0x3FD9]  }
0x89: {  	s3 =	sld [smem:$0x3FFE];
	_ =	sdelay $0x1  }
0x8a: {  	s1 =	srdreg.scid  }
0x8b: {  	s0 =	sand.u32 $0x1, s1  }
0x8c: {  	s18 =	sshll.u32 s0, $0xA;
	s2 =	sadd.s32 s3, s2  }
0x8d: {  	s2 =	sadd.s32 s2, s18  }
0x8e: {  	[smem:$0x3FC2] =	sst s2  }
0x8f: {  	_ = 	snop  }
0x90: {  	s2 =	sld [smem:$0x3FC9]  }
0x91: {  	s19 =	sld [smem:$0x3FC8]  }
0x92: {  	s4 =	sld [smem:$0x3FC7]  }
0x93: {  	s5 =	sld [smem:$0x3FC6]  }
0x94: {  	s6 =	sld [smem:$0x3FC5]  }
0x95: {  	s7 =	sld [smem:$0x3FC4]  }
0x96: {  	s8 =	sld [smem:$0x3FD0];
	(tm) =	ssettm $0x1  }
0x97: {  	s9 =	sld [smem:$0x3FFB];
	_ =	sdelay $0x3  }
0x98: {  	_ =	strace s9  }
0x99: {  	s9 =	sld [smem:$0x3FFC];
	_ =	sdelay $0x3  }
0x9a: {  	_ =	strace s9  }
0x9b: {  	s9 =	sld [smem:$0x3FFD];
	_ =	sdelay $0x3  }
0x9c: {  	_ =	strace s9  }
0x9d: {  	_ =	strace $0x8FFFFFFF  }
0x9e: {  	s20 =	sld [smem:$0x3FDB];
	_ =	sdelay $0x1  }
0x9f: {  	s10 =	simm.s32 $_scs_section_size  }
0xa0: {  	s11 =	simm.s32 $_size__tile_overlayer_lowered;
	s12 =	simm.s32 $_tile_overlayer_lowered  }
0xa1: {  	s23 =	simm.s32 $0x1BFF;
	s22 =	sshll.u32 s12, $0x1;
	s9 =	sadd.s32 s10, s20  }
0xa2: {  	s13 =	simm.s32 $0x0;
	s21 =	sshll.u32 s11, $0x1;
	s11 =	sadd.s32 s22, s9  }
0xa3: {  	[timem:s13], [sflag:s23] =	dma.local [hbm:s11], s21  }
0xa4: {  	_ =	swait.ge [sflag:s23], s21  }
0xa5: {  	s10 =	ssub.s32 $0x0, s21;
	[sflag:s23] =	ssyncset.done $0x0  }
0xa6: {  	[sflag:s23] =	ssyncadd.s32 s10;
	_ =	sdelay $0x1  }
0xa7: {  	s24 =	simm.s32 $0x1B8B  }
0xa8: {  	_ =	swait.ge [sflag:s24], $0x1  }
0xa9: {  	[sflag:s24] =	ssyncset.done $0x0  }
0xaa: {  	s25 =	simm.s32 $0x1B8E;
	[sflag:s24] =	ssyncadd.s32 $0xFFFFFFFF  }
0xab: {  	s26 =	simm.s32 $execute0_lowered;
	[smem:$0x3FD2] =	sst s25  }
0xac: {  	s10 =	sshll.u32 s26, $0x1;
	_ =	strace $0x80000046;
	[dreg:$0x1] =	wrdreg $0xFFFFFFFF  }
0xad: {  	s28 =	simm.s32 $_size_execute0_lowered;
	s9 =	sadd.s32 s9, s10;
	[dreg:$0x0] =	wrdreg $0x0  }
0xae: {  	s10 =	sshll.u32 s28, $0x1;
	[dreg:$0x2] =	wrdreg s9  }
0xaf: {  	[dreg:$0x3] =	wrdreg s10  }
0xb0: {  	[dreg:$0x4] =	wrdreg $0xC0  }
0xb1: {  	_ =	task [dreg:s13], $0x5FFFF  }
0xb2: {  	[dreg:$0x1] =	wrdreg $0xFFFFFFFF  }
0xb3: {  	[dreg:$0x0] =	wrdreg $0x60  }
0xb4: {  	[dreg:$0x2] =	wrdreg s2  }
0xb5: {  	[dreg:$0x3] =	wrdreg s19  }
0xb6: {  	[dreg:$0x4] =	wrdreg s4  }
0xb7: {  	[dreg:$0x5] =	wrdreg s5  }
0xb8: {  	[dreg:$0x6] =	wrdreg s6  }
0xb9: {  	[dreg:$0x7] =	wrdreg s7  }
0xba: {  	[dreg:$0x8] =	wrdreg s8  }
0xbb: {  	[dreg:$0x9] =	wrdreg $0x9  }
0xbc: {  	_ =	task.clear_ibuf [dreg:s13], $0xAFFFF;
	_ =	strace $0x90000046  }
0xbd: {  	s29 =	simm.s32 $0x9;
	_ =	strace $0x80000048  }
0xbe: {  	_ =	swait.ge [sflag:s29], $0x1  }
0xbf: {  	[sflag:s29] =	ssyncadd.s32 $0xFFFFFFFF  }
0xc0: {  	_ =	strace $0x90000048  }
0xc1: {  	_ =	sfence  }
0xc2: {  	s30 =	sld [smem:$0x0];
	_ =	sdelay $0x2  }
0xc3: {  	s31 =	sshll.u32 s1, $0xD;
	s1 =	sshrl.u32 s1, $0x2  }
0xc4: {  	s3 =	sand.u32 $0x4000, s31;
	s1 =	sadd.s32 s1, s30  }
0xc5: {  	s0 =	sor.u32 s3, s0;
	s1 =	sshll.u32 s1, $0x11  }
0xc6: {  	s0 =	sor.u32 s1, s0  }
0xc7: {  	s0 =	sadd.s32 $0x8F2B, s0  }
0xc8: {  	[sflag:s0] =	ssyncadd.remote.s32 $0x1  }
0xc9: {  	_ =	sfence.sel $0xFFFF  }
0xca: {  	[dreg:$0x0] =	wrdreg $0xFFFFFFFF;
	(pc) =	sbr.abs _section_cstart, $3  }
0xcb: {  	[dreg:$0x1] =	wrdreg $0xFFFFFFFF  }
0xcc: {  	_ =	task.clear_ibuf [dreg:s13], $0x2FFFF;
	_ =	strace $0x9FFFFFFF  }
0xcd: {  	(tm) =	ssettm $0x7FFFFFFF  }
tec
execute0_lowered:
.L_overlay_start_1:
0x0: {  	(tag) =	ssettag $0x1  }
0x1: {  	v4 =	vimm.f32 $0.0e+00  }
0x2: {  	v5 =	vimm.f32 $1.500000000e+01;
	vm0 =	vcmask $0x300;
	vm1 =	vcmask $0x704  }
0x3: {  	v6 =	vimm.f32 $3.100000000e+01;
	vm2 =	vcmask $0xB08;
	vm4 =	vcmask $0xF0C  }
0x4: {  	s0 =	rddreg [dreg:$0x0];
	vm5 =	vcmask $0x1310;
	vm6 =	vcmask $0x1714;
	v5 =	vsel vm0, $0x0, v5  }
0x5: {  	s1 =	srdreg.scid;
	s2 =	rddreg [dreg:$0x1];
	vm7 =	vcmask $0x1B18;
	v6 =	vsel vm0, $0x41800000, v6;
	v5 =	vsel vm1, $0x3F800000, v5  }
0x6: {  	s5 =	stileid.u32;
	s4 =	rddreg [dreg:$0x6];
	s6 =	simm.s32 $0x0;
	vm8 =	vcmask $0x1F1C;
	v6 =	vsel vm1, $0x41880000, v6;
	v5 =	vsel vm2, $0x40000000, v5  }
0x7: {  	vm9 =	vcmask $0x2320;
	s15 =	simm.s32 $0x80;
	s17 =	simm.s32 $0xE480;
	s21 =	simm.s32 $0x100;
	v6 =	vsel vm2, $0x41900000, v6;
	v5 =	vsel vm4, $0x40400000, v5  }
0x8: {  	vm10 =	vcmask $0x2724;
	s22 =	simm.s32 $0x2080;
	s23 =	simm.s32 $0x4080;
	s24 =	simm.s32 $0x1;
	v6 =	vsel vm4, $0x41980000, v6;
	v5 =	vsel vm5, $0x40800000, v5  }
0x9: {  	vm11 =	vcmask $0x2B28;
	s25 =	simm.s32 $0x6080;
	s28 =	simm.s32 $0x2;
	s29 =	simm.s32 $0xA480;
	v6 =	vsel vm5, $0x41A00000, v6;
	v5 =	vsel vm6, $0x40A00000, v5  }
0xa: {  	vm12 =	vcmask $0x2F2C;
	s30 =	simm.s32 $0xC480;
	s31 =	simm.s32 $0xB480;
	s1 =	sand.u32 $0x1, s1;
	v6 =	vsel vm6, $0x41A80000, v6;
	v5 =	vsel vm7, $0x40C00000, v5  }
0xb: {  	vm13 =	vcmask $0x3330;
	s3 =	sshll.u32 s5, $0x1;
	[smem:$0x7FF] =	sst s6;
	s5 =	sshll.u32 s5, $0xB;
	v6 =	vsel vm7, $0x41B00000, v6;
	v5 =	vsel vm8, $0x40E00000, v5  }
0xc: {  	vm14 =	vcmask $0x3734;
	s3 =	sor.u32 s1, s3;
	_ =	strace $0x80000047;
	s1 =	ssub.s32 $0x2, s1;
	v6 =	vsel vm8, $0x41B80000, v6;
	v5 =	vsel vm9, $0x41000000, v5  }
0xd: {  	vm15 =	vcmask $0x3B38;
	s5 =	sand.u32 $0x6000, s5;
	s7 =	sshrl.u32 s1, $0x1;
	s8 =	sshll.u32 s3, $0x4;
	v6 =	vsel vm9, $0x41C00000, v6;
	v5 =	vsel vm10, $0x41100000, v5  }
0xe: {  	v0 =	vmov s3;
	s2 =	sadd.s32 s2, s5;
	s3 =	sshll.u32 s3, $0xB;
	s5 =	simm.s32 $0x4;
	v6 =	vsel vm10, $0x41C80000, v6;
	v5 =	vsel vm11, $0x41200000, v5  }
0xf: {  	v1 =	vor.u32 $0x20, v0;
	s8 =	sand.u32 $0x70, s8;
	s1 =	ssub.s32 s1, s7;
	s26 =	sor.u32 $0x10, s3;
	v6 =	vsel vm11, $0x41D00000, v6;
	v5 =	vsel vm12, $0x41300000, v5  }
0x10: {  	v2 =	vor.u32 $0x40, v0;
	s10 =	sadd.s32 s4, s3;
	s7 =	sadd.s32 s8, s2;
	s8 =	sadd.s32 s0, s3;
	v6 =	vsel vm12, $0x41D80000, v6;
	v5 =	vsel vm13, $0x41400000, v5  }
0x11: {  	v3 =	vor.u32 $0x60, v0;
	s9 =	sadd.s32 s0, s26;
	s11 =	sadd.s32 s4, s26;
	s12 =	sadd.s32 $0x400, s10;
	v6 =	vsel vm13, $0x41E00000, v6;
	v5 =	vsel vm14, $0x41500000, v5  }
0x12: {  	s13 =	sadd.s32 $0x410, s10;
	s14 =	smax.u32 s1, $0x1;
	s26 =	simm.s32 $0x8280;
	v7 =	vsel vm14, $0x41E80000, v6;
	v6 =	vlaneseq.u32;
	v5 =	vsel vm15, $0x41600000, v5  }
0x13: {  	s0 =	simm.s32 $0xD480;
	s1 =	simm.s32 $0x3;
	s2 =	simm.s32 $0x0;
	v7 =	vsel vm15, $0x41F00000, v7;
	v8 =	vadd.s32 $0xFFFFFE1B, v6;
	v9 =	vadd.s32 $0x1, v6  }
.LBB2_1:
0x14: {  	s3 =	simm.s32 $0x400  }
0x15: {  	[tilespmem:s6], [sflag:$0x1] =	stream.strided.gather [hbm4b:s7+s15], $0x2000, s3, s15, $0x38;
	[tilespmem:$0xE500] =	vst v63  }
0x16: {  	s19 =	rddreg [dreg:$0x2]  }
0x17: {  	[tilespmem:s17], [sflag:$0x1] =	stream.linear.gather [hbm4b:s19+s6], $0x20, $0x38;
	[tilespmem:$0xE500] =	vst v63  }
0x18: {  	s20 =	rddreg [dreg:$0x3];
	s4 =	simm.s32 $0xE4A0  }
0x19: {  	[tilespmem:s4], [sflag:$0x1] =	stream.linear.gather [hbm4b:s20+s6], $0x20, $0x38;
	[tilespmem:$0xE500] =	vst v63  }
0x1a: {  	s16 =	simm.s32 $0xE4C0;
	s4 =	rddreg [dreg:$0x4]  }
0x1b: {  	[tilespmem:s16], [sflag:$0x1] =	stream.linear.gather [hbm4b:s4+s6], $0x20, $0x38;
	[tilespmem:$0xE500] =	vst v63  }
0x1c: {  	s18 =	rddreg [dreg:$0x5];
	s19 =	simm.s32 $0xE4E0  }
0x1d: {  	[tilespmem:s19], [sflag:$0x1] =	stream.linear.gather [hbm4b:s18+s6], $0x20, $0x38;
	[tilespmem:$0xE500] =	vst v63  }
0x1e: {  	_ = 	snop  }
0x1f: {  	[tilespmem:s22], [sflag:$0x2] =	stream.strided.gather [hbm4b:s8+s15], $0x2000, s21, s15, $0x38;
	[tilespmem:$0xE500] =	vst v63  }
0x20: {  	_ = 	snop  }
0x21: {  	[tilespmem:s23], [sflag:$0x2] =	stream.strided.gather [hbm4b:s9+s15], $0x2000, s21, s15, $0x38;
	[tilespmem:$0xE500] =	vst v63  }
0x22: {  	[tilespmem:$0x6080] =	vst v4  }
0x23: {  	[tilespmem:$0x8280] =	vst v4  }
0x24: {  	[tilespmem:$0x6090] =	vst v4  }
0x25: {  	[tilespmem:$0x8290] =	vst v4  }
0x26: {  	[tilespmem:$0x60A0] =	vst v4  }
0x27: {  	[tilespmem:$0x82A0] =	vst v4  }
0x28: {  	[tilespmem:$0x60B0] =	vst v4  }
0x29: {  	[tilespmem:$0x82B0] =	vst v4  }
0x2a: {  	[tilespmem:$0x60C0] =	vst v4  }
0x2b: {  	[tilespmem:$0x82C0] =	vst v4  }
0x2c: {  	[tilespmem:$0x60D0] =	vst v4  }
0x2d: {  	[tilespmem:$0x82D0] =	vst v4  }
0x2e: {  	[tilespmem:$0x60E0] =	vst v4  }
0x2f: {  	[tilespmem:$0x82E0] =	vst v4  }
0x30: {  	[tilespmem:$0x60F0] =	vst v4  }
0x31: {  	[tilespmem:$0x82F0] =	vst v4  }
0x32: {  	[tilespmem:$0x6100] =	vst v4  }
0x33: {  	[tilespmem:$0x8300] =	vst v4  }
0x34: {  	[tilespmem:$0x6110] =	vst v4  }
0x35: {  	[tilespmem:$0x8310] =	vst v4  }
0x36: {  	[tilespmem:$0x6120] =	vst v4  }
0x37: {  	[tilespmem:$0x8320] =	vst v4  }
0x38: {  	[tilespmem:$0x6130] =	vst v4  }
0x39: {  	[tilespmem:$0x8330] =	vst v4  }
0x3a: {  	[tilespmem:$0x6140] =	vst v4  }
0x3b: {  	[tilespmem:$0x8340] =	vst v4  }
0x3c: {  	[tilespmem:$0x6150] =	vst v4  }
0x3d: {  	[tilespmem:$0x8350] =	vst v4  }
0x3e: {  	[tilespmem:$0x6160] =	vst v4  }
0x3f: {  	[tilespmem:$0x8360] =	vst v4  }
0x40: {  	[tilespmem:$0x6170] =	vst v4  }
0x41: {  	[tilespmem:$0x8370] =	vst v4  }
0x42: {  	[tilespmem:$0x6180] =	vst v4  }
0x43: {  	[tilespmem:$0x8380] =	vst v4  }
0x44: {  	[tilespmem:$0x6190] =	vst v4  }
0x45: {  	[tilespmem:$0x8390] =	vst v4  }
0x46: {  	[tilespmem:$0x61A0] =	vst v4  }
0x47: {  	[tilespmem:$0x83A0] =	vst v4  }
0x48: {  	[tilespmem:$0x61B0] =	vst v4  }
0x49: {  	[tilespmem:$0x83B0] =	vst v4  }
0x4a: {  	[tilespmem:$0x61C0] =	vst v4  }
0x4b: {  	[tilespmem:$0x83C0] =	vst v4  }
0x4c: {  	[tilespmem:$0x61D0] =	vst v4  }
0x4d: {  	[tilespmem:$0x83D0] =	vst v4  }
0x4e: {  	[tilespmem:$0x61E0] =	vst v4  }
0x4f: {  	[tilespmem:$0x83E0] =	vst v4  }
0x50: {  	[tilespmem:$0x61F0] =	vst v4  }
0x51: {  	[tilespmem:$0x83F0] =	vst v4  }
0x52: {  	[tilespmem:$0x6200] =	vst v4  }
0x53: {  	[tilespmem:$0x8400] =	vst v4  }
0x54: {  	[tilespmem:$0x6210] =	vst v4  }
0x55: {  	[tilespmem:$0x8410] =	vst v4  }
0x56: {  	[tilespmem:$0x6220] =	vst v4  }
0x57: {  	[tilespmem:$0x8420] =	vst v4  }
0x58: {  	[tilespmem:$0x6230] =	vst v4  }
0x59: {  	[tilespmem:$0x8430] =	vst v4  }
0x5a: {  	[tilespmem:$0x6240] =	vst v4  }
0x5b: {  	[tilespmem:$0x8440] =	vst v4  }
0x5c: {  	[tilespmem:$0x6250] =	vst v4  }
0x5d: {  	[tilespmem:$0x8450] =	vst v4  }
0x5e: {  	[tilespmem:$0x6260] =	vst v4  }
0x5f: {  	[tilespmem:$0x8460] =	vst v4  }
0x60: {  	_ =	swait.ge [sflag:s24], $0x2000  }
0x61: {  	[sflag:s24] =	ssyncset.done $0x0  }
0x62: {  	[sflag:s24] =	ssyncadd.s32 $0xFFFFE000  }
0x63: {  	_ =	swait.ge [sflag:s24], $0x20  }
0x64: {  	[sflag:s24] =	ssyncset.done $0x0  }
0x65: {  	[sflag:s24] =	ssyncadd.s32 $0xFFFFFFE0  }
0x66: {  	_ =	swait.ge [sflag:s24], $0x20  }
0x67: {  	[sflag:s24] =	ssyncset.done $0x0  }
0x68: {  	[sflag:s24] =	ssyncadd.s32 $0xFFFFFFE0  }
0x69: {  	_ =	swait.ge [sflag:s24], $0x20  }
0x6a: {  	[sflag:s24] =	ssyncset.done $0x0  }
0x6b: {  	[sflag:s24] =	ssyncadd.s32 $0xFFFFFFE0  }
0x6c: {  	_ =	swait.ge [sflag:s24], $0x20  }
0x6d: {  	[sflag:s24] =	ssyncset.done $0x0  }
0x6e: {  	[sflag:s24] =	ssyncadd.s32 $0xFFFFFFE0  }
0x6f: {  	[tilespmem:$0x2000] =	vst v4  }
0x70: {  	[tilespmem:$0x2010] =	vst v4  }
0x71: {  	v10 =	vld.idx.msk [tilespmem:v1+s17+$0x0], $0xffff;
	_ =	sdelay $0x1  }
0x72: {  	v12 =	vld [tilespmem:$0x0];
	_ =	sdelay $0x2  }
0x73: {  	v11 =	vmul.f32 $4.410000000e+02, v10;
	_ =	sdelay $0x1  }
0x74: {  	v10 =	vmul.f32 v12, v11;
	_ =	sdelay $0x1  }
0x75: {  	v10 =	vadd.f32 $4.400000000e+01, v10;
	_ =	sdelay $0x1  }
0x76: {  	v10 =	vsub.f32 v5, v10;
	_ =	sdelay $0x1  }
0x77: {  	v12 =	vadd.f32 $4.850000000e+02, v10;
	_ =	sdelay $0x1  }
0x78: {  	v10 =	vtrunc.f32 v12  }
0x79: {  	v13 =	vcvt.f32.s32 v10;
	_ =	sdelay $0x1  }
0x7a: {  	v14 =	vadd.s32 $0xB, v13  }
0x7b: {  	v18 =	vld [tilespmem:$0x10];
	v15 =	vadd.s32 $0xC, v13  }
0x7c: {  	v16 =	vld.idx.msk [tilespmem:v2+s17+$0x0], $0xffff  }
0x7d: {  	v17 =	vld.idx.msk [tilespmem:v3+s17+$0x0], $0xffff  }
0x7e: {  	v10 =	vld.idx.msk [tilespmem:v0+s17+$0x0], $0xffff  }
0x7f: {  	v19 =	vld.idx.msk [tilespmem:v14+s25+$0x0], $0xffff  }
0x80: {  	v20 =	vld.idx.msk [tilespmem:v15+s25+$0x0], $0xffff  }
0x81: {  	v14 =	vld.idx.msk [tilespmem:v14+s26+$0x0], $0xffff  }
0x82: {  	v15 =	vld.idx.msk [tilespmem:v15+s26+$0x0], $0xffff;
	_ =	swait.ge [sflag:s28], $0x2000  }
0x83: {  	v18 =	vmul.f32 v18, v11;
	[sflag:s28] =	ssyncset.done $0x0  }
0x84: {  	[sflag:s28] =	ssyncadd.s32 $0xFFFFE000  }
0x85: {  	v18 =	vadd.f32 $4.400000000e+01, v18;
	_ =	swait.ge [sflag:s28], $0x2000  }
0x86: {  	[sflag:s28] =	ssyncset.done $0x0  }
0x87: {  	s20 =	simm.s32 $0x0;
	v18 =	vsub.f32 v7, v18;
	[sflag:s28] =	ssyncadd.s32 $0xFFFFE000  }
0x88: {  	v21 =	vld [tilespmem:s20+$0x20]  }
0x89: {  	s16 =	simm.s32 $0x20;
	v18 =	vadd.f32 $4.850000000e+02, v18;
	v13 =	vcvt.s32.f32 v13  }
0x8a: {  	v23 =	vadd.s32 s16, v6  }
0x8b: {  	v24 =	vadd.s32 s16, v8;
	v22 =	vtrunc.f32 v18;
	v13 =	vsub.f32 v12, v13  }
0x8c: {  	vm0 =	vgt.s32 v23, $0x1E4;
	v12 =	vmul.f32 v17, v16;
	v16 =	vcvt.f32.s32 v22  }
0x8d: {  	v17 =	vsel vm0, v24, v23;
	v22 =	vsub.f32 $1.000000000e+00, v13;
	v21 =	vmul.f32 v21, v11  }
0x8e: {  	v23 =	vcvt.s32.f32 v17  }
0x8f: {  	s18 =	simm.s32 $0x2B;
	v25 =	vmul.f32 v22, v12;
	v22 =	vmul.f32 v22, v10;
	v21 =	vadd.f32 $4.400000000e+01, v21  }
0x90: {  	v17 =	vsub.s32 s18, v17;
	v24 =	vcvt.s32.f32 v16;
	v16 =	vadd.s32 $0xB, v16;
	v26 =	vld [tilespmem:s20+$0x2080]  }
0x91: {  	v28 =	vadd.s32 $0x1, v16;
	v27 =	vmul.f32 v14, v22;
	v21 =	vsub.f32 v23, v21  }
0x92: {  	v18 =	vsub.f32 v18, v24;
	v14 =	vmul.f32 v14, v25;
	v29 =	vld [tilespmem:s20+$0x4080];
	v23 =	vmul.f32 v13, v12  }
0x93: {  	v25 =	vmul.f32 v25, v19;
	v19 =	vmul.f32 v22, v19;
	v21 =	vadd.f32 $4.850000000e+02, v21  }
0x94: {  	v31 =	vsub.f32 $1.000000000e+00, v18;
	v13 =	vmul.f32 v13, v10;
	v24 =	vmul.f32 v15, v23  }
0x95: {  	v32 =	vld.idx.msk [tilespmem:v16+s25+$0x0], $0xffff;
	v25 =	vadd.f32 v26, v25;
	v23 =	vmul.f32 v20, v23;
	v30 =	vtrunc.f32 v21  }
0x96: {  	v19 =	vadd.f32 v26, v19;
	v26 =	vld.idx.msk [tilespmem:v28+s25+$0x0], $0xffff;
	v20 =	vmul.f32 v20, v13;
	v22 =	vcvt.f32.s32 v30  }
0x97: {  	v14 =	vadd.f32 v29, v14;
	v13 =	vmul.f32 v15, v13;
	v23 =	vadd.f32 v25, v23;
	v25 =	vld.idx.msk [tilespmem:v16+s26+$0x0], $0xffff  }
0x98: {  	v16 =	vadd.f32 v19, v20;
	v19 =	vadd.f32 v29, v27;
	v30 =	vld [tilespmem:s20+$0x2090];
	v17 =	vadd.s32 v22, v17  }
0x99: {  	v20 =	vmul.f32 v31, v10;
	v14 =	vadd.f32 v14, v24;
	v33 =	vadd.s32 v9, v17  }
0x9a: {  	v28 =	vld.idx.msk [tilespmem:v28+s26+$0x0], $0xffff;
	[tilespmem:s20+$0xA480] =	vst v23;
	v15 =	vadd.s32 v6, v17  }
0x9b: {  	v13 =	vadd.f32 v19, v13;
	v19 =	vmul.f32 v18, v10;
	[tilespmem:s20+$0xC480] =	vst v14;
	v14 =	vmul.f32 v32, v20  }
0x9c: {  	[tilespmem:s20+$0x6270] =	vst v16  }
0x9d: {  	[tilespmem:s20+$0x8470] =	vst v13;
	v23 =	vmul.f32 v26, v19;
	v14 =	vadd.f32 v30, v14  }
0x9e: {  	v13 =	vld.idx.msk [tilespmem:v33+s26+$0x0], $0xffff  }
0x9f: {  	v14 =	vadd.f32 v14, v23;
	v17 =	vld.idx.msk [tilespmem:v15+s26+$0x0], $0xffff  }
0xa0: {  	s19 =	sand.u32 $0xFE0, s6;
	v16 =	vld.idx.msk [tilespmem:v15+s25+$0x0], $0xffff  }
0xa1: {  	v15 =	vld.idx.msk [tilespmem:v33+s25+$0x0], $0xffff;
	[tilespmem:s19+$0x6280] =	vst v14  }
0xa2: {  	v14 =	vmul.f32 v31, v12;
	v23 =	vld [tilespmem:s20+$0x4090];
	_ =	sdelay $0x1  }
0xa3: {  	v18 =	vmul.f32 v18, v12;
	v24 =	vmul.f32 v32, v14  }
0xa4: {  	v20 =	vmul.f32 v25, v20  }
0xa5: {  	v26 =	vmul.f32 v26, v18;
	v24 =	vadd.f32 v30, v24  }
0xa6: {  	v19 =	vmul.f32 v28, v19;
	v20 =	vadd.f32 v23, v20  }
0xa7: {  	v24 =	vadd.f32 v24, v26  }
0xa8: {  	v19 =	vadd.f32 v20, v19  }
0xa9: {  	v14 =	vmul.f32 v25, v14;
	[tilespmem:s20+$0xA490] =	vst v24  }
0xaa: {  	[tilespmem:s19+$0x8480] =	vst v19  }
0xab: {  	v18 =	vmul.f32 v28, v18;
	v14 =	vadd.f32 v23, v14;
	v19 =	vld [tilespmem:s20+$0x30]  }
0xac: {  	p0 =	por $0x0, $0x0;
	s4 =	simm.s32 $0xFFFFFE4B;
	s16 =	simm.s32 $0x30  }
0xad: {  	s16 =	smov.u32 @p0 s4;
	v14 =	vadd.f32 v14, v18  }
0xae: {  	v20 =	vadd.s32 s16, v6  }
0xaf: {  	s4 =	simm.s32 $0x20;
	vm14 =	vgt.s32 v20, $0x1E4;
	[tilespmem:s20+$0xC490] =	vst v14;
	v14 =	vadd.s32 s16, v8  }
0xb0: {  	s3 =	sadd.s32 $0x10, s16;
	v18 =	vcvt.s32.f32 v22;
	v22 =	vsel vm14, v14, v20;
	v20 =	vld [tilespmem:s4+$0x20];
	v19 =	vmul.f32 v19, v11  }
0xb1: {  	p0 =	sgt.s32 s3, $0x1E4;
	s16 =	sadd.s32 $0xFFFFFE2B, s16  }
0xb2: {  	s3 =	smov.u32 @p0 s16;
	v14 =	vcvt.s32.f32 v22;
	v19 =	vadd.f32 $4.400000000e+01, v19  }
0xb3: {  	v18 =	vsub.f32 v21, v18;
	v23 =	vadd.s32 s3, v6  }
0xb4: {  	v24 =	vadd.s32 s3, v8;
	vm15 =	vgt.s32 v23, $0x1E4;
	v19 =	vsub.f32 v14, v19  }
0xb5: {  	v21 =	vsub.f32 $1.000000000e+00, v18;
	v24 =	vsel vm15, v24, v23;
	v20 =	vmul.f32 v20, v11  }
0xb6: {  	v23 =	vcvt.s32.f32 v24;
	v25 =	vadd.f32 $4.850000000e+02, v19  }
0xb7: {  	v26 =	vadd.f32 $4.400000000e+01, v20;
	v20 =	vmul.f32 v21, v12;
	v14 =	vmul.f32 v18, v10  }
0xb8: {  	s20 =	simm.s32 $0x3B;
	v18 =	vmul.f32 v18, v12;
	v27 =	vtrunc.f32 v25  }
0xb9: {  	v30 =	vsub.s32 s20, v22;
	v19 =	vmul.f32 v21, v10;
	v29 =	vcvt.f32.s32 v27  }
0xba: {  	v28 =	vsub.f32 v23, v26;
	v21 =	vmul.f32 v13, v18;
	v23 =	vmul.f32 v15, v14  }
0xbb: {  	s18 =	simm.s32 $0x100;
	s16 =	simm.s32 $0x0;
	v26 =	vld [tilespmem:s4+$0x2080];
	v22 =	vmul.f32 v17, v19;
	v27 =	vcvt.s32.f32 v29;
	v29 =	vadd.s32 v29, v30  }
.LBB2_2:
0xbc: {  	p0 =	sne.s32 s18, $0x3F80  }
0xbd: {  	v17 =	vmul.f32 v17, v20;
	v28 =	vadd.f32 $4.850000000e+02, v28;
	v29 =	vadd.s32 v6, v29;
	s16 =	sadd.s32 $0x20, s16;
	s19 =	smov.u32 s18;
	s18 =	sadd.s32 $0x80, s18  }
0xbe: {  	v20 =	vmul.f32 v20, v16;
	v30 =	vadd.s32 $0x1, v29;
	v31 =	vld [tilespmem:s4+$0x4080];
	s20 =	sadd.s32 $0x2B, s16;
	v25 =	vsub.f32 v25, v27  }
0xbf: {  	v16 =	vmul.f32 v19, v16;
	v19 =	vtrunc.f32 v28;
	v24 =	vsub.s32 s20, v24  }
0xc0: {  	v19 =	vcvt.f32.s32 v19;
	v27 =	vsub.f32 $1.000000000e+00, v25;
	v32 =	vmul.f32 v25, v12  }
0xc1: {  	v15 =	vmul.f32 v15, v18;
	v25 =	vmul.f32 v25, v10;
	v16 =	vadd.f32 v26, v16;
	v18 =	vld [tilespmem:s4+$0x2090]  }
0xc2: {  	v20 =	vadd.f32 v26, v20;
	v33 =	vld.idx.msk [tilespmem:v29+s25+$0x0], $0xffff;
	v24 =	vadd.s32 v19, v24;
	v26 =	vmul.f32 v27, v12  }
0xc3: {  	v27 =	vmul.f32 v27, v10;
	v34 =	vld.idx.msk [tilespmem:v30+s25+$0x0], $0xffff;
	v35 =	vadd.s32 v6, v24;
	v24 =	vadd.s32 v9, v24  }
0xc4: {  	v19 =	vcvt.s32.f32 v19;
	v15 =	vadd.f32 v20, v15;
	v17 =	vadd.f32 v31, v17;
	v30 =	vld.idx.msk [tilespmem:v30+s26+$0x0], $0xffff  }
0xc5: {  	v13 =	vmul.f32 v13, v14;
	v16 =	vadd.f32 v16, v23;
	v20 =	vadd.f32 v31, v22;
	v29 =	vld.idx.msk [tilespmem:v29+s26+$0x0], $0xffff  }
0xc6: {  	v14 =	vadd.f32 v17, v21;
	[tilespmem:s4+$0xA480] =	vst v15;
	v15 =	vsub.f32 v28, v19  }
0xc7: {  	v13 =	vadd.f32 v20, v13;
	[tilespmem:s4+$0x6270] =	vst v16  }
0xc8: {  	v16 =	vmul.f32 v33, v27;
	v17 =	vmul.f32 v33, v26;
	[tilespmem:s4+$0xC480] =	vst v14;
	v20 =	vsub.f32 $1.000000000e+00, v15  }
0xc9: {  	v21 =	vmul.f32 v34, v25;
	v14 =	vmul.f32 v15, v10;
	[tilespmem:s4+$0x8470] =	vst v13  }
0xca: {  	v22 =	vadd.f32 v18, v16;
	v23 =	vadd.f32 v18, v17;
	v13 =	vld.idx.msk [tilespmem:v24+s26+$0x0], $0xffff;
	v19 =	vmul.f32 v20, v10  }
0xcb: {  	v28 =	vmul.f32 v34, v32;
	v20 =	vmul.f32 v20, v12;
	v17 =	vld.idx.msk [tilespmem:v35+s26+$0x0], $0xffff  }
0xcc: {  	s20 =	sand.u32 $0xFE0, s16;
	v18 =	vmul.f32 v15, v12;
	v21 =	vadd.f32 v22, v21;
	v16 =	vld.idx.msk [tilespmem:v35+s25+$0x0], $0xffff  }
0xcd: {  	v22 =	vadd.f32 v23, v28;
	v15 =	vld.idx.msk [tilespmem:v24+s25+$0x0], $0xffff  }
0xce: {  	[tilespmem:s20+$0x6280] =	vst v21  }
0xcf: {  	[tilespmem:s4+$0xA490] =	vst v22;
	v21 =	vld [tilespmem:s4+$0x4090];
	_ =	sdelay $0x1  }
0xd0: {  	v22 =	vmul.f32 v29, v27  }
0xd1: {  	v23 =	vmul.f32 v29, v26  }
0xd2: {  	v24 =	vmul.f32 v30, v25  }
0xd3: {  	v22 =	vadd.f32 v21, v22;
	v21 =	vadd.f32 v21, v23  }
0xd4: {  	v23 =	vmul.f32 v30, v32  }
0xd5: {  	v22 =	vadd.f32 v22, v24  }
0xd6: {  	v21 =	vadd.f32 v21, v23  }
0xd7: {  	[tilespmem:s20+$0x8480] =	vst v22  }
0xd8: {  	s20 =	sadd.s32 $0x10, s3;
	[tilespmem:s4+$0xC490] =	vst v21;
	v21 =	vld [tilespmem:s4+$0x30]  }
0xd9: {  	s3 =	sadd.s32 $0xFFFFFE2B, s3;
	p1 =	sgt.s32 s20, $0x1E4  }
0xda: {  	s20 =	smov.u32 @p1 s3  }
0xdb: {  	v22 =	vadd.s32 s20, v6;
	s3 =	sadd.s32 $0x10, s20  }
0xdc: {  	v23 =	vadd.s32 s20, v8;
	s20 =	sadd.s32 $0xFFFFFE2B, s20;
	vm0 =	vgt.s32 v22, $0x1E4;
	p1 =	sgt.s32 s3, $0x1E4  }
0xdd: {  	s4 =	sshra.s32 s19, $0x2;
	v22 =	vsel vm0, v23, v22;
	s3 =	smov.u32 @p1 s20;
	v21 =	vmul.f32 v21, v11  }
0xde: {  	v24 =	vcvt.s32.f32 v22;
	v23 =	vld [tilespmem:s4+$0x20]  }
0xdf: {  	v21 =	vadd.f32 $4.400000000e+01, v21;
	_ =	sdelay $0x1  }
0xe0: {  	v21 =	vsub.f32 v24, v21  }
0xe1: {  	v26 =	vadd.s32 s3, v8;
	v24 =	vadd.s32 s3, v6  }
0xe2: {  	vm0 =	vgt.s32 v24, $0x1E4;
	v23 =	vmul.f32 v23, v11;
	v25 =	vadd.f32 $4.850000000e+02, v21  }
.Ltmp0:
0xe3: {  	v24 =	vsel vm0, v26, v24;
	(pc) =	sbr.rel @p0 .LBB2_2-.Ltmp0, $4  }
0xe4: {  	s19 =	sadd.s32 $0x3B, s16;
	v26 =	vcvt.s32.f32 v24;
	v23 =	vadd.f32 $4.400000000e+01, v23;
	v21 =	vtrunc.f32 v25  }
0xe5: {  	v30 =	vsub.s32 s19, v22;
	v29 =	vcvt.f32.s32 v21  }
0xe6: {  	v22 =	vmul.f32 v17, v19;
	v21 =	vmul.f32 v13, v18;
	v28 =	vsub.f32 v26, v23  }
0xe7: {  	v23 =	vmul.f32 v15, v14;
	v26 =	vld [tilespmem:s4+$0x2080];
	v27 =	vcvt.s32.f32 v29;
	v29 =	vadd.s32 v29, v30  }
0xe8: {  	v29 =	vadd.s32 v6, v29  }
0xe9: {  	v28 =	vadd.f32 $4.850000000e+02, v28;
	v17 =	vmul.f32 v17, v20;
	v31 =	vld [tilespmem:s4+$0x4080];
	v30 =	vadd.s32 $0x1, v29  }
0xea: {  	v20 =	vmul.f32 v20, v16;
	v16 =	vmul.f32 v19, v16  }
0xeb: {  	s18 =	sadd.s32 $0x20, s16;
	v15 =	vmul.f32 v15, v18;
	v25 =	vsub.f32 v25, v27;
	v32 =	vtrunc.f32 v28  }
0xec: {  	v13 =	vmul.f32 v13, v14;
	s16 =	sadd.s32 $0x2B, s18;
	v27 =	vld [tilespmem:s4+$0x2090];
	v19 =	vcvt.f32.s32 v32;
	v20 =	vadd.f32 v26, v20  }
0xed: {  	v24 =	vsub.s32 s16, v24;
	v61 =	vsub.f32 $1.000000000e+00, v25;
	v16 =	vadd.f32 v26, v16;
	v18 =	vld.idx.msk [tilespmem:v29+s25+$0x0], $0xffff  }
0xee: {  	v24 =	vadd.s32 v19, v24;
	v17 =	vadd.f32 v31, v17;
	v26 =	vld.idx.msk [tilespmem:v30+s25+$0x0], $0xffff;
	v15 =	vadd.f32 v20, v15  }
0xef: {  	v22 =	vadd.f32 v31, v22;
	v33 =	vadd.s32 v9, v24;
	v30 =	vld.idx.msk [tilespmem:v30+s26+$0x0], $0xffff;
	v16 =	vadd.f32 v16, v23  }
0xf0: {  	v20 =	vld.idx.msk [tilespmem:v29+s26+$0x0], $0xffff;
	v23 =	vmul.f32 v61, v10;
	[tilespmem:s4+$0xA480] =	vst v15;
	v15 =	vadd.f32 v17, v21  }
0xf1: {  	v14 =	vadd.s32 v6, v24;
	[tilespmem:s4+$0x6270] =	vst v16  }
0xf2: {  	v13 =	vadd.f32 v22, v13;
	v16 =	vmul.f32 v25, v10;
	[tilespmem:s4+$0xC480] =	vst v15;
	v15 =	vmul.f32 v18, v23;
	_ =	sdelay $0x1  }
0xf3: {  	v17 =	vmul.f32 v61, v12;
	[tilespmem:s4+$0x8470] =	vst v13;
	v13 =	vmul.f32 v26, v16;
	v15 =	vadd.f32 v27, v15  }
0xf4: {  	v22 =	vld.idx.msk [tilespmem:v33+s26+$0x0], $0xffff  }
0xf5: {  	v21 =	vmul.f32 v25, v12;
	v18 =	vmul.f32 v18, v17;
	v24 =	vld.idx.msk [tilespmem:v14+s26+$0x0], $0xffff;
	v13 =	vadd.f32 v15, v13  }
0xf6: {  	s19 =	sand.u32 $0xFE0, s18;
	v14 =	vld.idx.msk [tilespmem:v14+s25+$0x0], $0xffff  }
0xf7: {  	v25 =	vmul.f32 v26, v21;
	v18 =	vadd.f32 v27, v18;
	v15 =	vld.idx.msk [tilespmem:v33+s25+$0x0], $0xffff;
	[tilespmem:s19+$0x6280] =	vst v13  }
0xf8: {  	v13 =	vld [tilespmem:s4+$0x4090]  }
0xf9: {  	v18 =	vadd.f32 v18, v25;
	_ =	sdelay $0x1  }
0xfa: {  	[tilespmem:s4+$0xA490] =	vst v18;
	v18 =	vmul.f32 v20, v23  }
0xfb: {  	v17 =	vmul.f32 v20, v17  }
0xfc: {  	v16 =	vmul.f32 v30, v16;
	v18 =	vadd.f32 v13, v18  }
0xfd: {  	v13 =	vadd.f32 v13, v17;
	v17 =	vmul.f32 v30, v21  }
0xfe: {  	v16 =	vadd.f32 v18, v16  }
0xff: {  	v13 =	vadd.f32 v13, v17  }
0x100: {  	[tilespmem:s19+$0x8480] =	vst v16  }
0x101: {  	[tilespmem:s4+$0xC490] =	vst v13;
	v13 =	vld [tilespmem:s4+$0x30]  }
0x102: {  	s19 =	sadd.s32 $0x10, s3  }
0x103: {  	s3 =	sadd.s32 $0xFFFFFE2B, s3;
	p0 =	sgt.s32 s19, $0x1E4  }
0x104: {  	s19 =	smov.u32 @p0 s3  }
0x105: {  	[hbm4b:s10+s15] =	stream.strided.scatter [tilespmem:s29], [sflag:$0x3], $0x1000, s21, s15, $0x38;
	v16 =	vadd.s32 s19, v6;
	[tilespmem:$0xE500] =	vst v63  }
0x106: {  	s4 =	simm.s32 $0x0;
	v17 =	vadd.s32 s19, v8;
	vm0 =	vgt.s32 v16, $0x1E4;
	v13 =	vmul.f32 v13, v11  }
0x107: {  	[hbm4b:s11+s15] =	stream.strided.scatter [tilespmem:s30], [sflag:$0x3], $0x1000, s21, s15, $0x38;
	v16 =	vsel vm0, v17, v16;
	[tilespmem:$0xE500] =	vst v63  }
0x108: {  	v18 =	vld [tilespmem:s4+$0x1020];
	v17 =	vcvt.s32.f32 v16;
	v13 =	vadd.f32 $4.400000000e+01, v13  }
0x109: {  	v19 =	vcvt.s32.f32 v19;
	s16 =	sadd.s32 $0x10, s19  }
0x10a: {  	s3 =	sadd.s32 $0xFFFFFE2B, s19;
	p0 =	sgt.s32 s16, $0x1E4;
	v13 =	vsub.f32 v17, v13  }
0x10b: {  	s16 =	smov.u32 @p0 s3;
	v17 =	vsub.f32 v28, v19  }
0x10c: {  	v20 =	vadd.s32 s16, v8;
	v19 =	vadd.s32 s16, v6;
	v13 =	vadd.f32 $4.850000000e+02, v13  }
0x10d: {  	v18 =	vmul.f32 v18, v11;
	vm13 =	vgt.s32 v19, $0x1E4;
	v21 =	vsub.f32 $1.000000000e+00, v17  }
0x10e: {  	v19 =	vsel vm13, v20, v19;
	v25 =	vmul.f32 v17, v10;
	v23 =	vtrunc.f32 v13  }
0x10f: {  	s20 =	sadd.s32 $0x3B, s18;
	v18 =	vadd.f32 $4.400000000e+01, v18;
	v20 =	vcvt.f32.s32 v23;
	v23 =	vcvt.s32.f32 v19  }
0x110: {  	v16 =	vsub.s32 s20, v16;
	v26 =	vmul.f32 v21, v10;
	v21 =	vmul.f32 v21, v12  }
0x111: {  	v17 =	vmul.f32 v17, v12;
	v16 =	vadd.s32 v20, v16;
	v18 =	vsub.f32 v23, v18;
	v23 =	vld [tilespmem:s4+$0x3080]  }
0x112: {  	v27 =	vmul.f32 v24, v26;
	v24 =	vmul.f32 v24, v21;
	v16 =	vadd.s32 v6, v16  }
0x113: {  	v29 =	vld [tilespmem:s4+$0x5080];
	v21 =	vmul.f32 v14, v21;
	v20 =	vcvt.s32.f32 v20  }
0x114: {  	v14 =	vmul.f32 v14, v26;
	v18 =	vadd.f32 $4.850000000e+02, v18;
	v28 =	vadd.s32 $0x1, v16  }
0x115: {  	v20 =	vsub.f32 v13, v20;
	v13 =	vmul.f32 v22, v17;
	v17 =	vmul.f32 v15, v17  }
0x116: {  	v15 =	vmul.f32 v15, v25;
	v30 =	vtrunc.f32 v18;
	v21 =	vadd.f32 v23, v21  }
0x117: {  	s18 =	simm.s32 $0x102B;
	v31 =	vsub.f32 $1.000000000e+00, v20;
	v26 =	vcvt.f32.s32 v30;
	v14 =	vadd.f32 v23, v14;
	v62 =	vld.idx.msk [tilespmem:v16+s25+$0x0], $0xffff  }
0x118: {  	v19 =	vsub.s32 s18, v19;
	v30 =	vld [tilespmem:s4+$0x3090];
	v17 =	vadd.f32 v21, v17;
	v21 =	vadd.f32 v29, v24  }
0x119: {  	v19 =	vadd.s32 v26, v19;
	v23 =	vld.idx.msk [tilespmem:v28+s25+$0x0], $0xffff;
	v14 =	vadd.f32 v14, v15;
	v15 =	vadd.f32 v29, v27  }
0x11a: {  	v24 =	vld.idx.msk [tilespmem:v16+s26+$0x0], $0xffff;
	v16 =	vmul.f32 v22, v25;
	v22 =	vmul.f32 v31, v10;
	v63 =	vadd.s32 v9, v19  }
0x11b: {  	v28 =	vld.idx.msk [tilespmem:v28+s26+$0x0], $0xffff;
	v19 =	vadd.s32 v6, v19;
	[tilespmem:s4+$0xB480] =	vst v17;
	v13 =	vadd.f32 v21, v13  }
0x11c: {  	[tilespmem:s4+$0x7270] =	vst v14;
	v14 =	vadd.f32 v15, v16;
	v21 =	vmul.f32 v20, v10;
	v15 =	vmul.f32 v62, v22  }
0x11d: {  	[tilespmem:s4+$0xD480] =	vst v13  }
0x11e: {  	[tilespmem:s4+$0x9470] =	vst v14;
	v14 =	vmul.f32 v23, v21;
	v15 =	vadd.f32 v30, v15  }
0x11f: {  	v13 =	vld.idx.msk [tilespmem:v63+s26+$0x0], $0xffff  }
0x120: {  	s3 =	simm.s32 $0x1000;
	v17 =	vld.idx.msk [tilespmem:v19+s26+$0x0], $0xffff;
	v14 =	vadd.f32 v15, v14  }
0x121: {  	s19 =	sand.u32 $0x1FE0, s3;
	v16 =	vld.idx.msk [tilespmem:v19+s25+$0x0], $0xffff  }
0x122: {  	v15 =	vld.idx.msk [tilespmem:v63+s25+$0x0], $0xffff;
	[tilespmem:s19+$0x6280] =	vst v14  }
0x123: {  	v14 =	vmul.f32 v31, v12;
	v19 =	vld [tilespmem:s4+$0x5090];
	_ =	sdelay $0x1  }
0x124: {  	v20 =	vmul.f32 v20, v12;
	v25 =	vmul.f32 v62, v14  }
0x125: {  	v22 =	vmul.f32 v24, v22  }
0x126: {  	v23 =	vmul.f32 v23, v20;
	v25 =	vadd.f32 v30, v25  }
0x127: {  	v21 =	vmul.f32 v28, v21;
	v22 =	vadd.f32 v19, v22  }
0x128: {  	v23 =	vadd.f32 v25, v23  }
0x129: {  	v21 =	vadd.f32 v22, v21  }
0x12a: {  	[tilespmem:s4+$0xB490] =	vst v23  }
0x12b: {  	v14 =	vmul.f32 v24, v14;
	[tilespmem:s19+$0x8480] =	vst v21  }
0x12c: {  	v21 =	vld [tilespmem:s4+$0x1030]  }
0x12d: {  	s18 =	sadd.s32 $0x10, s16;
	v14 =	vadd.f32 v19, v14;
	v19 =	vmul.f32 v28, v20  }
0x12e: {  	s16 =	sadd.s32 $0xFFFFFE2B, s16;
	p0 =	sgt.s32 s18, $0x1E4  }
0x12f: {  	s18 =	smov.u32 @p0 s16;
	v14 =	vadd.f32 v14, v19  }
0x130: {  	s16 =	sadd.s32 $0x10, s18;
	v20 =	vadd.s32 s18, v6;
	v19 =	vcvt.s32.f32 v26  }
0x131: {  	p0 =	sgt.s32 s16, $0x1E4;
	vm14 =	vgt.s32 v20, $0x1E4;
	[tilespmem:s4+$0xD490] =	vst v14;
	v14 =	vadd.s32 s18, v8;
	s4 =	simm.s32 $0x20;
	s18 =	sadd.s32 $0xFFFFFE2B, s18;
	v21 =	vmul.f32 v21, v11  }
0x132: {  	v18 =	vsub.f32 v18, v19;
	v22 =	vsel vm14, v14, v20;
	v20 =	vld [tilespmem:s4+$0x1020];
	s16 =	smov.u32 @p0 s18  }
0x133: {  	v14 =	vcvt.s32.f32 v22;
	v23 =	vadd.s32 s16, v6;
	v19 =	vadd.f32 $4.400000000e+01, v21  }
0x134: {  	v25 =	vadd.s32 s16, v8;
	vm15 =	vgt.s32 v23, $0x1E4  }
0x135: {  	v26 =	vsel vm15, v25, v23;
	v19 =	vsub.f32 v14, v19  }
0x136: {  	v23 =	vcvt.s32.f32 v26  }
0x137: {  	v20 =	vmul.f32 v20, v11;
	v21 =	vsub.f32 $1.000000000e+00, v18;
	v24 =	vadd.f32 $4.850000000e+02, v19  }
0x138: {  	v14 =	vmul.f32 v18, v10;
	v18 =	vmul.f32 v18, v12  }
0x139: {  	s20 =	simm.s32 $0x103B;
	v25 =	vadd.f32 $4.400000000e+01, v20;
	v20 =	vmul.f32 v21, v12;
	v27 =	vtrunc.f32 v24  }
0x13a: {  	v30 =	vsub.s32 s20, v22;
	v19 =	vmul.f32 v21, v10;
	v29 =	vcvt.f32.s32 v27  }
0x13b: {  	v28 =	vsub.f32 v23, v25;
	v21 =	vmul.f32 v13, v18;
	v23 =	vmul.f32 v15, v14  }
0x13c: {  	s18 =	simm.s32 $0x100;
	v25 =	vld [tilespmem:s4+$0x3080];
	v22 =	vmul.f32 v17, v19;
	v27 =	vcvt.s32.f32 v29;
	v29 =	vadd.s32 v29, v30  }
.LBB2_4:
0x13d: {  	p0 =	sne.s32 s18, $0x3F80  }
0x13e: {  	v17 =	vmul.f32 v17, v20;
	v28 =	vadd.f32 $4.850000000e+02, v28;
	v29 =	vadd.s32 v6, v29;
	s3 =	sadd.s32 $0x20, s3;
	s19 =	smov.u32 s18;
	s18 =	sadd.s32 $0x80, s18  }
0x13f: {  	v20 =	vmul.f32 v16, v20;
	v30 =	vadd.s32 $0x1, v29;
	v31 =	vld [tilespmem:s4+$0x5080];
	s20 =	sadd.s32 $0x2B, s3;
	v24 =	vsub.f32 v24, v27  }
0x140: {  	v16 =	vmul.f32 v16, v19;
	v19 =	vtrunc.f32 v28;
	v26 =	vsub.s32 s20, v26  }
0x141: {  	v19 =	vcvt.f32.s32 v19;
	v27 =	vsub.f32 $1.000000000e+00, v24;
	v32 =	vmul.f32 v24, v10  }
0x142: {  	v15 =	vmul.f32 v15, v18;
	v24 =	vmul.f32 v24, v12;
	v16 =	vadd.f32 v25, v16;
	v18 =	vld [tilespmem:s4+$0x3090]  }
0x143: {  	v20 =	vadd.f32 v25, v20;
	v33 =	vld.idx.msk [tilespmem:v29+s25+$0x0], $0xffff;
	v25 =	vadd.s32 v19, v26;
	v26 =	vmul.f32 v27, v10  }
0x144: {  	v27 =	vmul.f32 v27, v12;
	v34 =	vld.idx.msk [tilespmem:v30+s25+$0x0], $0xffff;
	v35 =	vadd.s32 v6, v25;
	v25 =	vadd.s32 v9, v25  }
0x145: {  	v19 =	vcvt.s32.f32 v19;
	v15 =	vadd.f32 v20, v15;
	v17 =	vadd.f32 v31, v17;
	v30 =	vld.idx.msk [tilespmem:v30+s26+$0x0], $0xffff  }
0x146: {  	v13 =	vmul.f32 v13, v14;
	v16 =	vadd.f32 v16, v23;
	v20 =	vadd.f32 v31, v22;
	v29 =	vld.idx.msk [tilespmem:v29+s26+$0x0], $0xffff  }
0x147: {  	v14 =	vadd.f32 v17, v21;
	[tilespmem:s4+$0xB480] =	vst v15;
	v15 =	vsub.f32 v28, v19  }
0x148: {  	v13 =	vadd.f32 v20, v13;
	[tilespmem:s4+$0x7270] =	vst v16  }
0x149: {  	v17 =	vmul.f32 v33, v26;
	v19 =	vmul.f32 v33, v27;
	[tilespmem:s4+$0xD480] =	vst v14;
	v16 =	vsub.f32 $1.000000000e+00, v15  }
0x14a: {  	v14 =	vmul.f32 v15, v10;
	v21 =	vmul.f32 v34, v32;
	[tilespmem:s4+$0x9470] =	vst v13  }
0x14b: {  	v22 =	vadd.f32 v18, v17;
	v23 =	vadd.f32 v18, v19;
	v20 =	vmul.f32 v16, v12;
	v13 =	vld.idx.msk [tilespmem:v25+s26+$0x0], $0xffff  }
0x14c: {  	v28 =	vmul.f32 v34, v24;
	v19 =	vmul.f32 v16, v10;
	v17 =	vld.idx.msk [tilespmem:v35+s26+$0x0], $0xffff  }
0x14d: {  	s20 =	sand.u32 $0x1FE0, s3;
	v18 =	vmul.f32 v15, v12;
	v21 =	vadd.f32 v22, v21;
	v16 =	vld.idx.msk [tilespmem:v35+s25+$0x0], $0xffff  }
0x14e: {  	v22 =	vadd.f32 v23, v28;
	v15 =	vld.idx.msk [tilespmem:v25+s25+$0x0], $0xffff  }
0x14f: {  	[tilespmem:s20+$0x6280] =	vst v21  }
0x150: {  	[tilespmem:s4+$0xB490] =	vst v22;
	v21 =	vld [tilespmem:s4+$0x5090];
	_ =	sdelay $0x1  }
0x151: {  	v22 =	vmul.f32 v29, v26  }
0x152: {  	v23 =	vmul.f32 v29, v27  }
0x153: {  	v25 =	vmul.f32 v30, v32  }
0x154: {  	v22 =	vadd.f32 v21, v22;
	v21 =	vadd.f32 v21, v23  }
0x155: {  	v23 =	vmul.f32 v30, v24  }
0x156: {  	v22 =	vadd.f32 v22, v25  }
0x157: {  	v21 =	vadd.f32 v21, v23  }
0x158: {  	[tilespmem:s20+$0x8480] =	vst v22  }
0x159: {  	s20 =	sadd.s32 $0x10, s16;
	[tilespmem:s4+$0xD490] =	vst v21;
	v21 =	vld [tilespmem:s4+$0x1030]  }
0x15a: {  	p1 =	sgt.s32 s20, $0x1E4;
	s4 =	sadd.s32 $0xFFFFFE2B, s16  }
0x15b: {  	s20 =	smov.u32 @p1 s4  }
0x15c: {  	v22 =	vadd.s32 s20, v6;
	s16 =	sadd.s32 $0x10, s20  }
0x15d: {  	v23 =	vadd.s32 s20, v8;
	s20 =	sadd.s32 $0xFFFFFE2B, s20;
	vm0 =	vgt.s32 v22, $0x1E4;
	p1 =	sgt.s32 s16, $0x1E4  }
0x15e: {  	s4 =	sshra.s32 s19, $0x2;
	v22 =	vsel vm0, v23, v22;
	s16 =	smov.u32 @p1 s20;
	v21 =	vmul.f32 v21, v11  }
0x15f: {  	v24 =	vcvt.s32.f32 v22;
	v23 =	vld [tilespmem:s4+$0x1020]  }
0x160: {  	v21 =	vadd.f32 $4.400000000e+01, v21;
	_ =	sdelay $0x1  }
0x161: {  	v21 =	vsub.f32 v24, v21  }
0x162: {  	v25 =	vadd.s32 s16, v6;
	v26 =	vadd.s32 s16, v8  }
0x163: {  	vm0 =	vgt.s32 v25, $0x1E4;
	v23 =	vmul.f32 v23, v11;
	v24 =	vadd.f32 $4.850000000e+02, v21  }
.Ltmp1:
0x164: {  	v26 =	vsel vm0, v26, v25;
	(pc) =	sbr.rel @p0 .LBB2_4-.Ltmp1, $4  }
0x165: {  	s19 =	sadd.s32 $0x3B, s3;
	v25 =	vcvt.s32.f32 v26;
	v23 =	vadd.f32 $4.400000000e+01, v23;
	v21 =	vtrunc.f32 v24  }
0x166: {  	v30 =	vsub.s32 s19, v22;
	v29 =	vcvt.f32.s32 v21  }
0x167: {  	v22 =	vmul.f32 v17, v19;
	v21 =	vmul.f32 v13, v18;
	v28 =	vsub.f32 v25, v23  }
0x168: {  	v23 =	vmul.f32 v15, v14;
	v25 =	vld [tilespmem:s4+$0x3080];
	v27 =	vcvt.s32.f32 v29;
	v29 =	vadd.s32 v29, v30  }
0x169: {  	v11 =	vadd.s32 v6, v29;
	_ =	sdelay $0x1  }
0x16a: {  	v26 =	vadd.s32 $0x1, v11;
	_ =	sdelay $0x1  }
0x16b: {  	v28 =	vld [tilespmem:s4+$0x5080];
	v24 =	vsub.f32 v24, v27  }
0x16c: {  	v29 =	vld.idx.msk [tilespmem:v11+s25+$0x0], $0xffff  }
0x16d: {  	v46 =	vmul.f32 v16, v20;
	v47 =	vmul.f32 v16, v19;
	v30 =	vld [tilespmem:s4+$0x3090];
	v48 =	vsub.f32 $1.000000000e+00, v24  }
0x16e: {  	v17 =	vmul.f32 v17, v20;
	v15 =	vmul.f32 v15, v18;
	v50 =	vld.idx.msk [tilespmem:v26+s25+$0x0], $0xffff  }
0x16f: {  	v51 =	vmul.f32 v24, v10;
	v49 =	vadd.f32 v25, v46;
	v10 =	vmul.f32 v48, v10  }
0x170: {  	v16 =	vadd.f32 v25, v47  }
0x171: {  	v17 =	vadd.f32 v28, v17;
	v11 =	vld.idx.msk [tilespmem:v11+s26+$0x0], $0xffff;
	v15 =	vadd.f32 v49, v15;
	v54 =	vmul.f32 v29, v10  }
0x172: {  	v13 =	vmul.f32 v13, v14;
	v22 =	vadd.f32 v28, v22;
	v53 =	vld.idx.msk [tilespmem:v26+s26+$0x0], $0xffff;
	v16 =	vadd.f32 v16, v23  }
0x173: {  	v56 =	vadd.f32 v17, v21;
	[tilespmem:s4+$0xB480] =	vst v15;
	v57 =	vmul.f32 v50, v51;
	v19 =	vadd.f32 v30, v54  }
0x174: {  	v13 =	vadd.f32 v22, v13;
	[tilespmem:s4+$0x7270] =	vst v16  }
0x175: {  	s3 =	sadd.s32 $0x20, s3;
	[tilespmem:s4+$0xD480] =	vst v56;
	v59 =	vadd.f32 v19, v57  }
0x176: {  	s3 =	sand.u32 $0x1FE0, s3;
	[tilespmem:s4+$0x9470] =	vst v13  }
0x177: {  	[tilespmem:s3+$0x6280] =	vst v59  }
0x178: {  	v52 =	vmul.f32 v48, v12;
	v61 =	vld [tilespmem:s4+$0x5090];
	_ =	sdelay $0x1  }
0x179: {  	v24 =	vmul.f32 v24, v12;
	v55 =	vmul.f32 v29, v52  }
0x17a: {  	v10 =	vmul.f32 v11, v10  }
0x17b: {  	v11 =	vmul.f32 v11, v52;
	v58 =	vmul.f32 v50, v24;
	v14 =	vadd.f32 v30, v55  }
0x17c: {  	v62 =	vmul.f32 v53, v51;
	v10 =	vadd.f32 v61, v10  }
0x17d: {  	v63 =	vmul.f32 v53, v24;
	v60 =	vadd.f32 v14, v58;
	v11 =	vadd.f32 v61, v11  }
0x17e: {  	v10 =	vadd.f32 v10, v62  }
0x17f: {  	[tilespmem:s4+$0xB490] =	vst v60;
	v11 =	vadd.f32 v11, v63  }
0x180: {  	[tilespmem:s3+$0x8480] =	vst v10  }
0x181: {  	[tilespmem:s4+$0xD490] =	vst v11  }
0x182: {  	[hbm4b:s12+s15] =	stream.strided.scatter [tilespmem:s31], [sflag:$0x4], $0x1000, s21, s15, $0x38;
	[tilespmem:$0xE500] =	vst v63  }
0x183: {  	_ =	swait.ge [sflag:s5], $0x1000  }
0x184: {  	[sflag:s5] =	ssyncset.done $0x0  }
0x185: {  	[sflag:s5] =	ssyncadd.s32 $0xFFFFF000  }
0x186: {  	[hbm4b:s13+s15] =	stream.strided.scatter [tilespmem:s0], [sflag:$0x4], $0x1000, s21, s15, $0x38;
	[tilespmem:$0xE500] =	vst v63  }
0x187: {  	_ =	swait.ge [sflag:s5], $0x1000  }
0x188: {  	[sflag:s5] =	ssyncset.done $0x0  }
0x189: {  	s2 =	sadd.s32 $0x1, s2;
	[sflag:s5] =	ssyncadd.s32 $0xFFFFF000  }
0x18a: {  	p0 =	sne.s32 s2, s14;
	_ =	swait.ge [sflag:s1], $0x1000  }
.Ltmp2:
0x18b: {  	[sflag:s1] =	ssyncset.done $0x0;
	(pc) =	sbr.rel @p0 .LBB2_1-.Ltmp2, $4  }
0x18c: {  	[sflag:s1] =	ssyncadd.s32 $0xFFFFF000  }
0x18d: {  	_ =	swait.ge [sflag:s1], $0x1000  }
0x18e: {  	[sflag:s1] =	ssyncset.done $0x0  }
0x18f: {  	[sflag:s1] =	ssyncadd.s32 $0xFFFFF000  }
0x190: {  	_ =	sfence.sel $0x180000  }
0x191: {  	[bflag:$0x0] =	sbarrier.arrive $0xFFFF  }
0x192: {  	_ =	strace $0x90000047  }
0x193: {  	s0 =	stileid.u32;
	[bflag:$0x2] =	sbarrier.arrive $0xFFFF  }
0x194: {  	p0 =	sne.s32 s0, $0x0;
	s0 =	rddreg [dreg:$0x7]  }
0x195: {  	s0 =	sadd.s32 @!p0 $0x100000, s0  }
0x196: {  	[sflag:s0] =	ssyncadd.tile.s32 @!p0 $0x1;
	_ =	shalt  }
.Lfunc_end2:
_tile_overlayer_lowered:
.L_overlay_start_2:
0x197: {  	(tag) =	ssettag $0x2  }
0x198: {  	s0 =	rddreg [dreg:$0x0];
	s2 =	stileid.u32  }
0x199: {  	s1 =	rddreg [dreg:$0x1];
	p0 =	sne.s32 s2, $0x0  }
0x19a: {  	s3 =	rddreg [dreg:$0x2];
	[bflag:$0x3] =	sbarrier.arrive $0xFFFF;
	s2 =	simm.s32 @!p0 $0x1C04  }
0x19b: {  	[timem:s3], [sflag:s2] =	dma.local @!p0 [hbm:s0], s1  }
0x19c: {  	s0 =	simm.s32 @!p0 $0x4  }
0x19d: {  	_ =	swait.ge @!p0 [sflag:s0], s1  }
0x19e: {  	s1 =	ssub.s32 @!p0 $0x0, s1;
	[sflag:s0] =	ssyncset.done @!p0 $0x0  }
0x19f: {  	[sflag:s0] =	ssyncadd.s32 @!p0 s1  }
0x1a0: {  	[bflag:$0x3] =	sbarrier.arrive $0xFFFF  }
0x1a1: {  	_ =	shalt  }

</sc_bundles>
